<compile_context>
chip_gen: v7x
topology: tpu7x:2x2x1
jax: 0.10.2.dev20260603
libtpu: 0.0.44.dev20260713+nightly
codegen_flags: <defaults>
</compile_context>

<pallas_src>
import functools

import jax
import jax.numpy as jnp
import numpy as np
from jax import lax
from jax.experimental import pallas as pl
from jax.experimental.pallas import tpu as pltpu
from jax.experimental.pallas import tpu_sc as plsc

N_NODES = 10000
N_EDGES = 160000
IN_DIM = 32
OUT_DIM = 32
NEF = 16
HID = 16
ALPHA = float(1.0 / np.sqrt(IN_DIM * 1))
EPS = float(jnp.finfo(jnp.float32).eps)

NC = 2
NS = 16
NW = NC * NS
EW = N_EDGES // NW
GC = 1000
NCHUNK = EW // GC
STRIPE = N_NODES // NS

@functools.lru_cache(maxsize=None)
def _get_mesh():
    return plsc.VectorSubcoreMesh(core_axis_name="c", subcore_axis_name="s",
                                  num_cores=NC, num_subcores=NS)


@functools.lru_cache(maxsize=None)
def _sc_gather(eoff, ne):
    ew = ne // NW
    nch = ew // GC

    def body(node_hbm, ei_hbm, out_hbm, idx_v, rows_v, sem):
        wid = lax.axis_index("s") * NC + lax.axis_index("c")
        for i in range(nch):
            base = wid * ew + i * GC
            pltpu.sync_copy(ei_hbm.at[1, pl.ds(eoff + base, GC)], idx_v)
            pltpu.async_copy(node_hbm.at[idx_v], rows_v, sem).wait()
            pltpu.sync_copy(rows_v, out_hbm.at[pl.ds(base, GC)])

    return pl.kernel(
        body,
        out_type=jax.ShapeDtypeStruct((ne, IN_DIM), jnp.float32),
        mesh=_get_mesh(),
        scratch_types=[
            pltpu.VMEM((GC,), jnp.int32),
            pltpu.VMEM((GC, IN_DIM), jnp.float32),
            pltpu.SemaphoreType.DMA,
        ],
        compiler_params=pltpu.CompilerParams(use_tc_tiling_on_sc=False,
                                             needs_layout_passes=False),
    )


@functools.lru_cache(maxsize=None)
def _sc_scatter(eoff, ne):
    ew = ne // NW
    nch = ew // GC

    def body(sum_hbm, ei_hbm, z32_hbm, z16_hbm, ones_hbm,
             psum_hbm, pcnt_hbm,
             idx_v, val_v, ones_v, shared_sum, shared_cnt):
        cid = lax.axis_index("c")
        sid = lax.axis_index("s")
        row0 = sid * STRIPE
        pltpu.sync_copy(z32_hbm.at[pl.ds(row0, STRIPE)],
                        shared_sum.at[pl.ds(row0, STRIPE)])
        pltpu.sync_copy(z16_hbm.at[pl.ds(row0, STRIPE)],
                        shared_cnt.at[pl.ds(row0, STRIPE)])
        pltpu.sync_copy(ones_hbm, ones_v)
        plsc.subcore_barrier()
        wid = sid * NC + cid
        for i in range(nch):
            base = wid * ew + i * GC
            pltpu.sync_copy(ei_hbm.at[0, pl.ds(eoff + base, GC)], idx_v)
            pltpu.sync_copy(sum_hbm.at[pl.ds(base, GC)], val_v)
            pltpu.sync_copy(val_v, shared_sum.at[idx_v], add=True)
            pltpu.sync_copy(ones_v, shared_cnt.at[idx_v], add=True)
        plsc.subcore_barrier()
        pltpu.sync_copy(shared_sum.at[pl.ds(row0, STRIPE)],
                        psum_hbm.at[cid, pl.ds(row0, STRIPE)])
        pltpu.sync_copy(shared_cnt.at[pl.ds(row0, STRIPE)],
                        pcnt_hbm.at[cid, pl.ds(row0, STRIPE)])

    return pl.kernel(
        body,
        out_type=(
            jax.ShapeDtypeStruct((NC, N_NODES, OUT_DIM), jnp.float32),
            jax.ShapeDtypeStruct((NC, N_NODES, HID), jnp.float32),
        ),
        mesh=_get_mesh(),
        scratch_types=[
            pltpu.VMEM((GC,), jnp.int32),
            pltpu.VMEM((GC, OUT_DIM), jnp.float32),
            pltpu.VMEM((GC, HID), jnp.float32),
            pltpu.VMEM_SHARED((N_NODES, OUT_DIM), jnp.float32),
            pltpu.VMEM_SHARED((N_NODES, HID), jnp.float32),
        ],
        compiler_params=pltpu.CompilerParams(use_tc_tiling_on_sc=False,
                                             needs_layout_passes=False),
    )


EB = 6400


def _dense_body(eaT_ref, xdT_ref, shT_ref, w1_ref, b1c_ref, w2mT_ref,
                b2rT_ref, out_ref):
    hT = jnp.maximum(
        jnp.dot(w1_ref[...], eaT_ref[...],
                preferred_element_type=jnp.float32) + b1c_ref[...], 0.0)
    xdsT = shT_ref[...] * xdT_ref[...]
    gT = jnp.dot(w2mT_ref[...], xdsT.astype(jnp.bfloat16),
                 preferred_element_type=jnp.float32)
    acc = jnp.dot(b2rT_ref[...], xdsT, preferred_element_type=jnp.float32)
    for j in range(HID):
        acc = acc + gT[j * OUT_DIM:(j + 1) * OUT_DIM, :] * hT[j:j + 1, :]
    out_ref[...] = acc


def _dense(eaT, xdT, shT, w1, b1c, w2mT, b2rT, eoff, ne):
    boff = eoff // EB
    return pl.pallas_call(
        _dense_body,
        grid=(ne // EB,),
        in_specs=[
            pl.BlockSpec((NEF, EB), lambda i: (0, i + boff)),
            pl.BlockSpec((IN_DIM, EB), lambda i: (0, i)),
            pl.BlockSpec((1, EB), lambda i: (0, i + boff)),
            pl.BlockSpec((NEF, NEF), lambda i: (0, 0)),
            pl.BlockSpec((HID, 1), lambda i: (0, 0)),
            pl.BlockSpec((HID * OUT_DIM, IN_DIM), lambda i: (0, 0)),
            pl.BlockSpec((OUT_DIM, IN_DIM), lambda i: (0, 0)),
        ],
        out_specs=pl.BlockSpec((OUT_DIM, EB), lambda i: (0, i)),
        out_shape=jax.ShapeDtypeStruct((OUT_DIM, ne), jnp.float32),
    )(eaT, xdT, shT, w1, b1c, w2mT, b2rT)


def _final_body(pa_ref, pb_ref, ca_ref, cb_ref, na_ref, out_ref):
    s = pa_ref[0] + pa_ref[1] + pb_ref[0] + pb_ref[1]
    cnt = (ca_ref[0, :, 0:1] + ca_ref[1, :, 0:1]
           + cb_ref[0, :, 0:1] + cb_ref[1, :, 0:1])
    out_ref[...] = s / jnp.maximum(cnt, EPS) + na_ref[...]


def _final(pa, pb, ca, cb, node_attr):
    return pl.pallas_call(
        _final_body,
        out_shape=jax.ShapeDtypeStruct((N_NODES, OUT_DIM), jnp.float32),
    )(pa, pb, ca, cb, node_attr)


def kernel(node_attr, edge_index, edge_attr, edge_sh, fc_w1, fc_b1, fc_w2,
           fc_b2):
    b1c = fc_b1.reshape(HID, 1)
    w2mT = (ALPHA * fc_w2.reshape(IN_DIM, OUT_DIM, HID).transpose(2, 1, 0)
            .reshape(HID * OUT_DIM, IN_DIM)).astype(jnp.bfloat16)
    b2rT = ALPHA * fc_b2.reshape(IN_DIM, OUT_DIM).T
    z32 = jnp.zeros((N_NODES, OUT_DIM), jnp.float32)
    z16 = jnp.zeros((N_NODES, HID), jnp.float32)
    ones = jnp.ones((GC, HID), jnp.float32)
    eaT = edge_attr.T
    shT = edge_sh.T
    halves = ((0, 96000), (96000, 64000))
    parts = []
    for eoff, ne in halves:
        xd = _sc_gather(eoff, ne)(node_attr, edge_index)
        sT = _dense(eaT, xd.T, shT, fc_w1, b1c, w2mT, b2rT, eoff, ne)
        parts.append(
            _sc_scatter(eoff, ne)(sT.T, edge_index, z32, z16, ones))
    (pa, ca), (pb, cb) = parts
    return _final(pa, pb, ca, cb, node_attr)

# --- scband reference (transcript-rebuilt; emitter-appended) ---
"""Pipeline reference for scband-old-tensor-product-conv-layer-58145267253788 (READ-ONLY COPY).

The authoritative reference and input builder live on the scoring server;
editing this copy changes nothing except your own understanding.
"""

import jax, jax.numpy as jnp
import numpy as np

N_NODES = 10000
N_EDGES = 160000
IN_DIM = 32      # '32x0e'
SH_DIM = 1       # '1x0e'
OUT_DIM = 32     # '32x0e'
NEF = 16         # n_edge_features
HID = 16         # hidden_features defaults to n_edge_features
WNUMEL = IN_DIM * SH_DIM * OUT_DIM  # tp.weight_numel for single 0e x 0e -> 0e uvw path
CHUNK = 100000   # edge_chunk_size in the torch forward
ALPHA = 1.0 / np.sqrt(IN_DIM * SH_DIM)  # e3nn path normalization ('element'): 1/sqrt(fan_in)


def setup_inputs(seed: int = 0) -> dict:
    key = jax.random.key(seed)
    ks = jax.random.split(key, 8)
    node_attr = jax.random.normal(ks[0], (N_NODES, IN_DIM), dtype=jnp.float32)
    edge_index = jax.random.randint(ks[1], (2, N_EDGES), 0, N_NODES, dtype=jnp.int32)
    edge_attr = jax.random.normal(ks[2], (N_EDGES, NEF), dtype=jnp.float32)
    edge_sh = jax.random.normal(ks[3], (N_EDGES, SH_DIM), dtype=jnp.float32)
    # fc: Linear(NEF->HID) -> ReLU -> Dropout(0) -> Linear(HID->WNUMEL)
    fc_w1 = jax.random.normal(ks[4], (HID, NEF), dtype=jnp.float32) / np.sqrt(NEF)
    fc_b1 = jax.random.normal(ks[5], (HID,), dtype=jnp.float32) * 0.01
    fc_w2 = jax.random.normal(ks[6], (WNUMEL, HID), dtype=jnp.float32) / np.sqrt(HID)
    fc_b2 = jax.random.normal(ks[7], (WNUMEL,), dtype=jnp.float32) * 0.01
    return {
        'node_attr': node_attr,
        'edge_index': edge_index,
        'edge_attr': edge_attr,
        'edge_sh': edge_sh,
        'fc_w1': fc_w1,
        'fc_b1': fc_b1,
        'fc_w2': fc_w2,
        'fc_b2': fc_b2,
    }


def _forward(node_attr, edge_attr, edge_sh, fc_w1, fc_b1, fc_w2, fc_b2, edge_index):
    edge_src = edge_index[0]
    edge_dst = edge_index[1]
    num_edges = edge_attr.shape[0]
    num_chunks = num_edges // CHUNK if num_edges % CHUNK == 0 else num_edges // CHUNK + 1
    edge_ranges = np.array_split(np.arange(num_edges), num_chunks)
    out_nodes = node_attr.shape[0]
    final_out = jnp.zeros((out_nodes, OUT_DIM), dtype=jnp.float32)
    div_factors = jnp.zeros((out_nodes,), dtype=jnp.float32)
    for r in edge_ranges:
        s, e = int(r[0]), int(r[-1]) + 1
        ea = edge_attr[s:e]
        # fc layer (dropout p=0 is identity)
        h = jax.nn.relu(ea @ fc_w1.T + fc_b1)
        w = (h @ fc_w2.T + fc_b2)  # [chunk, WNUMEL]
        # edge_weight = 1.0 -> mul_ is a no-op
        w = w.reshape(-1, IN_DIM, SH_DIM, OUT_DIM)[:, :, 0, :]  # uvw weight layout, v=1
        x_d = node_attr[edge_dst[s:e]]  # gather dst node features per edge
        # FullyConnectedTensorProduct for 0e x 0e -> 0e: out_ek = alpha * sum_u w_euk x_eu * sh_e
        summand = ALPHA * jnp.einsum('eu,euk->ek', x_d, w) * edge_sh[s:e]
        final_out = final_out + jax.ops.segment_sum(summand, edge_src[s:e], num_segments=out_nodes)
        div_factors = div_factors + jax.ops.segment_sum(
            jnp.ones((e - s,), dtype=jnp.float32), edge_src[s:e], num_segments=out_nodes)
    # reduce='mean'
    div_factors = jnp.maximum(div_factors, jnp.finfo(jnp.float32).eps)
    out = final_out / div_factors[:, None]
    # residual: F.pad(node_attr, (0, OUT_DIM - IN_DIM)) -> identity here since dims match
    out = out + node_attr
    # batch_norm=False
    return out


def reference(node_attr, edge_index, edge_attr, edge_sh, fc_w1, fc_b1, fc_w2, fc_b2):
    return _forward(node_attr, edge_attr, edge_sh, fc_w1, fc_b1, fc_w2, fc_b2, edge_index)

if __name__ == "__main__":
    import jax
    _d = setup_inputs()
    print(jax.jit(kernel)(*tuple(_d.values())))

</pallas_src>

<mosaic_0001>
#map = affine_map<(d0, d1) -> (0, 0)>
#map1 = affine_map<(d0, d1) -> (0, 0, 0)>
module attributes {stable_mosaic.version = 14 : i64} {
  func.func @body(%arg0: i32, %arg1: i32, %arg2: memref<96000x32xf32, #tpu.memory_space<hbm>>, %arg3: memref<2x160000xi32, #tpu.memory_space<hbm>>, %arg4: memref<10000x32xf32, #tpu.memory_space<hbm>>, %arg5: memref<10000x16xf32, #tpu.memory_space<hbm>>, %arg6: memref<1000x16xf32, #tpu.memory_space<hbm>>, %arg7: memref<2x10000x32xf32, #tpu.memory_space<hbm>>, %arg8: memref<2x10000x16xf32, #tpu.memory_space<hbm>>, %arg9: memref<1000xi32, #tpu.memory_space<vmem>>, %arg10: memref<1000x32xf32, #tpu.memory_space<vmem>>, %arg11: memref<1000x16xf32, #tpu.memory_space<vmem>>, %arg12: memref<10000x32xf32, #tpu.memory_space<vmem_shared>>, %arg13: memref<10000x16xf32, #tpu.memory_space<vmem_shared>>) attributes {dimension_semantics = [#tpu.dimension_semantics<core_parallel>, #tpu.dimension_semantics<subcore_parallel>], iteration_bounds = array<i64: 2, 16>, scalar_prefetch = 0 : i64, scratch_operands = 5 : i64, tpu.core_type = #tpu.core_type<sc_vector_subcore>, window_params = [{transform_indices = #map}, {transform_indices = #map}, {transform_indices = #map}, {transform_indices = #map}, {transform_indices = #map}, {transform_indices = #map1}, {transform_indices = #map1}]} {
    %mul3A = arith.constant 625 : i32
    %mul3A_0 = arith.muli %arg1, %mul3A : i32
    "tpu.region"() ({
      %run_scoped3A_24 = tpu.sem_alloc : memref<!tpu.dma_semaphore, #tpu.memory_space<semaphore_mem>>
      %dma_start3A = arith.constant 0 : i32
      %dma_start3A_25 = tpu.memref_slice %arg12[%mul3A_0, %dma_start3A] : memref<10000x32xf32, #tpu.memory_space<vmem_shared>> -> memref<625x32xf32, #tpu.memory_space<vmem_shared>>
      %dma_start3A_26 = arith.constant 0 : i32
      %dma_start3A_27 = tpu.memref_slice %arg4[%mul3A_0, %dma_start3A_26] : memref<10000x32xf32, #tpu.memory_space<hbm>> -> memref<625x32xf32, #tpu.memory_space<hbm>>
      tpu.enqueue_dma source(%dma_start3A_27 : memref<625x32xf32, #tpu.memory_space<hbm>>) target(%dma_start3A_25 : memref<625x32xf32, #tpu.memory_space<vmem_shared>>) target_semaphore(%run_scoped3A_24 : memref<!tpu.dma_semaphore, #tpu.memory_space<semaphore_mem>>)
      %dma_wait3A = arith.constant 0 : i32
      %dma_wait3A_28 = tpu.memref_slice %arg12[%mul3A_0, %dma_wait3A] : memref<10000x32xf32, #tpu.memory_space<vmem_shared>> -> memref<625x32xf32, #tpu.memory_space<vmem_shared>>
      %dma_wait3A_29 = arith.constant 0 : i32
      %dma_wait3A_30 = tpu.memref_slice %arg4[%mul3A_0, %dma_wait3A_29] : memref<10000x32xf32, #tpu.memory_space<hbm>> -> memref<625x32xf32, #tpu.memory_space<hbm>>
      tpu.wait_dma2 semaphore(%run_scoped3A_24 : memref<!tpu.dma_semaphore, #tpu.memory_space<semaphore_mem>>) src(%dma_wait3A_30 : memref<625x32xf32, #tpu.memory_space<hbm>>) dst(%dma_wait3A_28 : memref<625x32xf32, #tpu.memory_space<vmem_shared>>)
      tpu.yield
    }) : () -> ()
    "tpu.region"() ({
      %run_scoped3A_24 = tpu.sem_alloc : memref<!tpu.dma_semaphore, #tpu.memory_space<semaphore_mem>>
      %dma_start3A = arith.constant 0 : i32
      %dma_start3A_25 = tpu.memref_slice %arg13[%mul3A_0, %dma_start3A] : memref<10000x16xf32, #tpu.memory_space<vmem_shared>> -> memref<625x16xf32, #tpu.memory_space<vmem_shared>>
      %dma_start3A_26 = arith.constant 0 : i32
      %dma_start3A_27 = tpu.memref_slice %arg5[%mul3A_0, %dma_start3A_26] : memref<10000x16xf32, #tpu.memory_space<hbm>> -> memref<625x16xf32, #tpu.memory_space<hbm>>
      tpu.enqueue_dma source(%dma_start3A_27 : memref<625x16xf32, #tpu.memory_space<hbm>>) target(%dma_start3A_25 : memref<625x16xf32, #tpu.memory_space<vmem_shared>>) target_semaphore(%run_scoped3A_24 : memref<!tpu.dma_semaphore, #tpu.memory_space<semaphore_mem>>)
      %dma_wait3A = arith.constant 0 : i32
      %dma_wait3A_28 = tpu.memref_slice %arg13[%mul3A_0, %dma_wait3A] : memref<10000x16xf32, #tpu.memory_space<vmem_shared>> -> memref<625x16xf32, #tpu.memory_space<vmem_shared>>
      %dma_wait3A_29 = arith.constant 0 : i32
      %dma_wait3A_30 = tpu.memref_slice %arg5[%mul3A_0, %dma_wait3A_29] : memref<10000x16xf32, #tpu.memory_space<hbm>> -> memref<625x16xf32, #tpu.memory_space<hbm>>
      tpu.wait_dma2 semaphore(%run_scoped3A_24 : memref<!tpu.dma_semaphore, #tpu.memory_space<semaphore_mem>>) src(%dma_wait3A_30 : memref<625x16xf32, #tpu.memory_space<hbm>>) dst(%dma_wait3A_28 : memref<625x16xf32, #tpu.memory_space<vmem_shared>>)
      tpu.yield
    }) : () -> ()
    "tpu.region"() ({
      %run_scoped3A_24 = tpu.sem_alloc : memref<!tpu.dma_semaphore, #tpu.memory_space<semaphore_mem>>
      tpu.enqueue_dma source(%arg6 : memref<1000x16xf32, #tpu.memory_space<hbm>>) target(%arg11 : memref<1000x16xf32, #tpu.memory_space<vmem>>) target_semaphore(%run_scoped3A_24 : memref<!tpu.dma_semaphore, #tpu.memory_space<semaphore_mem>>)
      tpu.wait_dma2 semaphore(%run_scoped3A_24 : memref<!tpu.dma_semaphore, #tpu.memory_space<semaphore_mem>>) src(%arg6 : memref<1000x16xf32, #tpu.memory_space<hbm>>) dst(%arg11 : memref<1000x16xf32, #tpu.memory_space<vmem>>)
      tpu.yield
    }) : () -> ()
    %barrier3A = arith.constant 0 : index
    tpu.barrier barrier_id(%barrier3A)
    %mul3A_1 = arith.constant 2 : i32
    %mul3A_2 = arith.muli %arg1, %mul3A_1 : i32
    %add3A = arith.addi %mul3A_2, %arg0 : i32
    %mul3A_3 = arith.constant 3000 : i32
    %mul3A_4 = arith.muli %add3A, %mul3A_3 : i32
    %add3A_5 = arith.constant 0 : i32
    %add3A_6 = arith.addi %mul3A_4, %add3A_5 : i32
    %add3A_7 = arith.constant 0 : i32
    %add3A_8 = arith.addi %add3A_7, %add3A_6 : i32
    %run_scoped3A = arith.constant 0 : i32
    "tpu.region"() ({
      %run_scoped3A_24 = tpu.sem_alloc : memref<!tpu.dma_semaphore, #tpu.memory_space<semaphore_mem>>
      %dma_start3A = tpu.memref_slice %arg3[%run_scoped3A, %add3A_8] : memref<2x160000xi32, #tpu.memory_space<hbm>> -> memref<1x1000xi32, #tpu.memory_space<hbm>>
      %dma_start3A_25 = tpu.memref_squeeze %dma_start3A : memref<1x1000xi32, #tpu.memory_space<hbm>> -> memref<1000xi32, #tpu.memory_space<hbm>>
      %dma_start3A_26 = tpu.memref_slice %arg3[%run_scoped3A, %add3A_8] : memref<2x160000xi32, #tpu.memory_space<hbm>> -> memref<1x1000xi32, #tpu.memory_space<hbm>>
      %dma_start3A_27 = tpu.memref_squeeze %dma_start3A_26 : memref<1x1000xi32, #tpu.memory_space<hbm>> -> memref<1000xi32, #tpu.memory_space<hbm>>
      tpu.enqueue_dma source(%dma_start3A_27 : memref<1000xi32, #tpu.memory_space<hbm>>) target(%arg9 : memref<1000xi32, #tpu.memory_space<vmem>>) target_semaphore(%run_scoped3A_24 : memref<!tpu.dma_semaphore, #tpu.memory_space<semaphore_mem>>)
      %dma_wait3A = tpu.memref_slice %arg3[%run_scoped3A, %add3A_8] : memref<2x160000xi32, #tpu.memory_space<hbm>> -> memref<1x1000xi32, #tpu.memory_space<hbm>>
      %dma_wait3A_28 = tpu.memref_squeeze %dma_wait3A : memref<1x1000xi32, #tpu.memory_space<hbm>> -> memref<1000xi32, #tpu.memory_space<hbm>>
      %dma_wait3A_29 = tpu.memref_slice %arg3[%run_scoped3A, %add3A_8] : memref<2x160000xi32, #tpu.memory_space<hbm>> -> memref<1x1000xi32, #tpu.memory_space<hbm>>
      %dma_wait3A_30 = tpu.memref_squeeze %dma_wait3A_29 : memref<1x1000xi32, #tpu.memory_space<hbm>> -> memref<1000xi32, #tpu.memory_space<hbm>>
      tpu.wait_dma2 semaphore(%run_scoped3A_24 : memref<!tpu.dma_semaphore, #tpu.memory_space<semaphore_mem>>) src(%dma_wait3A_30 : memref<1000xi32, #tpu.memory_space<hbm>>) dst(%arg9 : memref<1000xi32, #tpu.memory_space<vmem>>)
      tpu.yield
    }) : () -> ()
    "tpu.region"() ({
      %run_scoped3A_24 = tpu.sem_alloc : memref<!tpu.dma_semaphore, #tpu.memory_space<semaphore_mem>>
      %dma_start3A = arith.constant 0 : i32
      %dma_start3A_25 = tpu.memref_slice %arg2[%add3A_6, %dma_start3A] : memref<96000x32xf32, #tpu.memory_space<hbm>> -> memref<1000x32xf32, #tpu.memory_space<hbm>>
      %dma_start3A_26 = arith.constant 0 : i32
      %dma_start3A_27 = tpu.memref_slice %arg2[%add3A_6, %dma_start3A_26] : memref<96000x32xf32, #tpu.memory_space<hbm>> -> memref<1000x32xf32, #tpu.memory_space<hbm>>
      tpu.enqueue_dma source(%dma_start3A_27 : memref<1000x32xf32, #tpu.memory_space<hbm>>) target(%arg10 : memref<1000x32xf32, #tpu.memory_space<vmem>>) target_semaphore(%run_scoped3A_24 : memref<!tpu.dma_semaphore, #tpu.memory_space<semaphore_mem>>)
      %dma_wait3A = arith.constant 0 : i32
      %dma_wait3A_28 = tpu.memref_slice %arg2[%add3A_6, %dma_wait3A] : memref<96000x32xf32, #tpu.memory_space<hbm>> -> memref<1000x32xf32, #tpu.memory_space<hbm>>
      %dma_wait3A_29 = arith.constant 0 : i32
      %dma_wait3A_30 = tpu.memref_slice %arg2[%add3A_6, %dma_wait3A_29] : memref<96000x32xf32, #tpu.memory_space<hbm>> -> memref<1000x32xf32, #tpu.memory_space<hbm>>
      tpu.wait_dma2 semaphore(%run_scoped3A_24 : memref<!tpu.dma_semaphore, #tpu.memory_space<semaphore_mem>>) src(%dma_wait3A_30 : memref<1000x32xf32, #tpu.memory_space<hbm>>) dst(%arg10 : memref<1000x32xf32, #tpu.memory_space<vmem>>)
      tpu.yield
    }) : () -> ()
    "tpu.region"() ({
      %run_scoped3A_24 = tpu.sem_alloc : memref<!tpu.dma_semaphore, #tpu.memory_space<semaphore_mem>>
      %dma_start3A = arith.constant 0 : i32
      %dma_start3A_25 = arith.constant 0 : i32
      %dma_start3A_26 = tpu.memref_slice %arg12[%dma_start3A, %dma_start3A_25] : memref<10000x32xf32, #tpu.memory_space<vmem_shared>> -> memref<10000x32xf32, #tpu.memory_space<vmem_shared>>
      tpu.enqueue_indirect_dma source(%arg10 : memref<1000x32xf32, #tpu.memory_space<vmem>>) target(%dma_start3A_26 : memref<10000x32xf32, #tpu.memory_space<vmem_shared>>) offsets(%arg9 : memref<1000xi32, #tpu.memory_space<vmem>>) semaphore(%run_scoped3A_24 : memref<!tpu.dma_semaphore, #tpu.memory_space<semaphore_mem>>) {add = true}
      %dma_wait3A = arith.constant 0 : i32
      %dma_wait3A_27 = arith.constant 0 : i32
      %dma_wait3A_28 = tpu.memref_slice %arg12[%dma_wait3A, %dma_wait3A_27] : memref<10000x32xf32, #tpu.memory_space<vmem_shared>> -> memref<10000x32xf32, #tpu.memory_space<vmem_shared>>
      tpu.wait_indirect_dma semaphore(%run_scoped3A_24 : memref<!tpu.dma_semaphore, #tpu.memory_space<semaphore_mem>>) src(%arg10 : memref<1000x32xf32, #tpu.memory_space<vmem>>) dst(%dma_wait3A_28 : memref<10000x32xf32, #tpu.memory_space<vmem_shared>>)
      tpu.yield
    }) : () -> ()
    "tpu.region"() ({
      %run_scoped3A_24 = tpu.sem_alloc : memref<!tpu.dma_semaphore, #tpu.memory_space<semaphore_mem>>
      %dma_start3A = arith.constant 0 : i32
      %dma_start3A_25 = arith.constant 0 : i32
      %dma_start3A_26 = tpu.memref_slice %arg13[%dma_start3A, %dma_start3A_25] : memref<10000x16xf32, #tpu.memory_space<vmem_shared>> -> memref<10000x16xf32, #tpu.memory_space<vmem_shared>>
      tpu.enqueue_indirect_dma source(%arg11 : memref<1000x16xf32, #tpu.memory_space<vmem>>) target(%dma_start3A_26 : memref<10000x16xf32, #tpu.memory_space<vmem_shared>>) offsets(%arg9 : memref<1000xi32, #tpu.memory_space<vmem>>) semaphore(%run_scoped3A_24 : memref<!tpu.dma_semaphore, #tpu.memory_space<semaphore_mem>>) {add = true}
      %dma_wait3A = arith.constant 0 : i32
      %dma_wait3A_27 = arith.constant 0 : i32
      %dma_wait3A_28 = tpu.memref_slice %arg13[%dma_wait3A, %dma_wait3A_27] : memref<10000x16xf32, #tpu.memory_space<vmem_shared>> -> memref<10000x16xf32, #tpu.memory_space<vmem_shared>>
      tpu.wait_indirect_dma semaphore(%run_scoped3A_24 : memref<!tpu.dma_semaphore, #tpu.memory_space<semaphore_mem>>) src(%arg11 : memref<1000x16xf32, #tpu.memory_space<vmem>>) dst(%dma_wait3A_28 : memref<10000x16xf32, #tpu.memory_space<vmem_shared>>)
      tpu.yield
    }) : () -> ()
    %mul3A_9 = arith.constant 3000 : i32
    %mul3A_10 = arith.muli %add3A, %mul3A_9 : i32
    %add3A_11 = arith.constant 1000 : i32
    %add3A_12 = arith.addi %mul3A_10, %add3A_11 : i32
    %add3A_13 = arith.constant 0 : i32
    %add3A_14 = arith.addi %add3A_13, %add3A_12 : i32
    %run_scoped3A_15 = arith.constant 0 : i32
    "tpu.region"() ({
      %run_scoped3A_24 = tpu.sem_alloc : memref<!tpu.dma_semaphore, #tpu.memory_space<semaphore_mem>>
      %dma_start3A = tpu.memref_slice %arg3[%run_scoped3A_15, %add3A_14] : memref<2x160000xi32, #tpu.memory_space<hbm>> -> memref<1x1000xi32, #tpu.memory_space<hbm>>
      %dma_start3A_25 = tpu.memref_squeeze %dma_start3A : memref<1x1000xi32, #tpu.memory_space<hbm>> -> memref<1000xi32, #tpu.memory_space<hbm>>
      %dma_start3A_26 = tpu.memref_slice %arg3[%run_scoped3A_15, %add3A_14] : memref<2x160000xi32, #tpu.memory_space<hbm>> -> memref<1x1000xi32, #tpu.memory_space<hbm>>
      %dma_start3A_27 = tpu.memref_squeeze %dma_start3A_26 : memref<1x1000xi32, #tpu.memory_space<hbm>> -> memref<1000xi32, #tpu.memory_space<hbm>>
      tpu.enqueue_dma source(%dma_start3A_27 : memref<1000xi32, #tpu.memory_space<hbm>>) target(%arg9 : memref<1000xi32, #tpu.memory_space<vmem>>) target_semaphore(%run_scoped3A_24 : memref<!tpu.dma_semaphore, #tpu.memory_space<semaphore_mem>>)
      %dma_wait3A = tpu.memref_slice %arg3[%run_scoped3A_15, %add3A_14] : memref<2x160000xi32, #tpu.memory_space<hbm>> -> memref<1x1000xi32, #tpu.memory_space<hbm>>
      %dma_wait3A_28 = tpu.memref_squeeze %dma_wait3A : memref<1x1000xi32, #tpu.memory_space<hbm>> -> memref<1000xi32, #tpu.memory_space<hbm>>
      %dma_wait3A_29 = tpu.memref_slice %arg3[%run_scoped3A_15, %add3A_14] : memref<2x160000xi32, #tpu.memory_space<hbm>> -> memref<1x1000xi32, #tpu.memory_space<hbm>>
      %dma_wait3A_30 = tpu.memref_squeeze %dma_wait3A_29 : memref<1x1000xi32, #tpu.memory_space<hbm>> -> memref<1000xi32, #tpu.memory_space<hbm>>
      tpu.wait_dma2 semaphore(%run_scoped3A_24 : memref<!tpu.dma_semaphore, #tpu.memory_space<semaphore_mem>>) src(%dma_wait3A_30 : memref<1000xi32, #tpu.memory_space<hbm>>) dst(%arg9 : memref<1000xi32, #tpu.memory_space<vmem>>)
      tpu.yield
    }) : () -> ()
    "tpu.region"() ({
      %run_scoped3A_24 = tpu.sem_alloc : memref<!tpu.dma_semaphore, #tpu.memory_space<semaphore_mem>>
      %dma_start3A = arith.constant 0 : i32
      %dma_start3A_25 = tpu.memref_slice %arg2[%add3A_12, %dma_start3A] : memref<96000x32xf32, #tpu.memory_space<hbm>> -> memref<1000x32xf32, #tpu.memory_space<hbm>>
      %dma_start3A_26 = arith.constant 0 : i32
      %dma_start3A_27 = tpu.memref_slice %arg2[%add3A_12, %dma_start3A_26] : memref<96000x32xf32, #tpu.memory_space<hbm>> -> memref<1000x32xf32, #tpu.memory_space<hbm>>
      tpu.enqueue_dma source(%dma_start3A_27 : memref<1000x32xf32, #tpu.memory_space<hbm>>) target(%arg10 : memref<1000x32xf32, #tpu.memory_space<vmem>>) target_semaphore(%run_scoped3A_24 : memref<!tpu.dma_semaphore, #tpu.memory_space<semaphore_mem>>)
      %dma_wait3A = arith.constant 0 : i32
      %dma_wait3A_28 = tpu.memref_slice %arg2[%add3A_12, %dma_wait3A] : memref<96000x32xf32, #tpu.memory_space<hbm>> -> memref<1000x32xf32, #tpu.memory_space<hbm>>
      %dma_wait3A_29 = arith.constant 0 : i32
      %dma_wait3A_30 = tpu.memref_slice %arg2[%add3A_12, %dma_wait3A_29] : memref<96000x32xf32, #tpu.memory_space<hbm>> -> memref<1000x32xf32, #tpu.memory_space<hbm>>
      tpu.wait_dma2 semaphore(%run_scoped3A_24 : memref<!tpu.dma_semaphore, #tpu.memory_space<semaphore_mem>>) src(%dma_wait3A_30 : memref<1000x32xf32, #tpu.memory_space<hbm>>) dst(%arg10 : memref<1000x32xf32, #tpu.memory_space<vmem>>)
      tpu.yield
    }) : () -> ()
    "tpu.region"() ({
      %run_scoped3A_24 = tpu.sem_alloc : memref<!tpu.dma_semaphore, #tpu.memory_space<semaphore_mem>>
      %dma_start3A = arith.constant 0 : i32
      %dma_start3A_25 = arith.constant 0 : i32
      %dma_start3A_26 = tpu.memref_slice %arg12[%dma_start3A, %dma_start3A_25] : memref<10000x32xf32, #tpu.memory_space<vmem_shared>> -> memref<10000x32xf32, #tpu.memory_space<vmem_shared>>
      tpu.enqueue_indirect_dma source(%arg10 : memref<1000x32xf32, #tpu.memory_space<vmem>>) target(%dma_start3A_26 : memref<10000x32xf32, #tpu.memory_space<vmem_shared>>) offsets(%arg9 : memref<1000xi32, #tpu.memory_space<vmem>>) semaphore(%run_scoped3A_24 : memref<!tpu.dma_semaphore, #tpu.memory_space<semaphore_mem>>) {add = true}
      %dma_wait3A = arith.constant 0 : i32
      %dma_wait3A_27 = arith.constant 0 : i32
      %dma_wait3A_28 = tpu.memref_slice %arg12[%dma_wait3A, %dma_wait3A_27] : memref<10000x32xf32, #tpu.memory_space<vmem_shared>> -> memref<10000x32xf32, #tpu.memory_space<vmem_shared>>
      tpu.wait_indirect_dma semaphore(%run_scoped3A_24 : memref<!tpu.dma_semaphore, #tpu.memory_space<semaphore_mem>>) src(%arg10 : memref<1000x32xf32, #tpu.memory_space<vmem>>) dst(%dma_wait3A_28 : memref<10000x32xf32, #tpu.memory_space<vmem_shared>>)
      tpu.yield
    }) : () -> ()
    "tpu.region"() ({
      %run_scoped3A_24 = tpu.sem_alloc : memref<!tpu.dma_semaphore, #tpu.memory_space<semaphore_mem>>
      %dma_start3A = arith.constant 0 : i32
      %dma_start3A_25 = arith.constant 0 : i32
      %dma_start3A_26 = tpu.memref_slice %arg13[%dma_start3A, %dma_start3A_25] : memref<10000x16xf32, #tpu.memory_space<vmem_shared>> -> memref<10000x16xf32, #tpu.memory_space<vmem_shared>>
      tpu.enqueue_indirect_dma source(%arg11 : memref<1000x16xf32, #tpu.memory_space<vmem>>) target(%dma_start3A_26 : memref<10000x16xf32, #tpu.memory_space<vmem_shared>>) offsets(%arg9 : memref<1000xi32, #tpu.memory_space<vmem>>) semaphore(%run_scoped3A_24 : memref<!tpu.dma_semaphore, #tpu.memory_space<semaphore_mem>>) {add = true}
      %dma_wait3A = arith.constant 0 : i32
      %dma_wait3A_27 = arith.constant 0 : i32
      %dma_wait3A_28 = tpu.memref_slice %arg13[%dma_wait3A, %dma_wait3A_27] : memref<10000x16xf32, #tpu.memory_space<vmem_shared>> -> memref<10000x16xf32, #tpu.memory_space<vmem_shared>>
      tpu.wait_indirect_dma semaphore(%run_scoped3A_24 : memref<!tpu.dma_semaphore, #tpu.memory_space<semaphore_mem>>) src(%arg11 : memref<1000x16xf32, #tpu.memory_space<vmem>>) dst(%dma_wait3A_28 : memref<10000x16xf32, #tpu.memory_space<vmem_shared>>)
      tpu.yield
    }) : () -> ()
    %mul3A_16 = arith.constant 3000 : i32
    %mul3A_17 = arith.muli %add3A, %mul3A_16 : i32
    %add3A_18 = arith.constant 2000 : i32
    %add3A_19 = arith.addi %mul3A_17, %add3A_18 : i32
    %add3A_20 = arith.constant 0 : i32
    %add3A_21 = arith.addi %add3A_20, %add3A_19 : i32
    %run_scoped3A_22 = arith.constant 0 : i32
    "tpu.region"() ({
      %run_scoped3A_24 = tpu.sem_alloc : memref<!tpu.dma_semaphore, #tpu.memory_space<semaphore_mem>>
      %dma_start3A = tpu.memref_slice %arg3[%run_scoped3A_22, %add3A_21] : memref<2x160000xi32, #tpu.memory_space<hbm>> -> memref<1x1000xi32, #tpu.memory_space<hbm>>
      %dma_start3A_25 = tpu.memref_squeeze %dma_start3A : memref<1x1000xi32, #tpu.memory_space<hbm>> -> memref<1000xi32, #tpu.memory_space<hbm>>
      %dma_start3A_26 = tpu.memref_slice %arg3[%run_scoped3A_22, %add3A_21] : memref<2x160000xi32, #tpu.memory_space<hbm>> -> memref<1x1000xi32, #tpu.memory_space<hbm>>
      %dma_start3A_27 = tpu.memref_squeeze %dma_start3A_26 : memref<1x1000xi32, #tpu.memory_space<hbm>> -> memref<1000xi32, #tpu.memory_space<hbm>>
      tpu.enqueue_dma source(%dma_start3A_27 : memref<1000xi32, #tpu.memory_space<hbm>>) target(%arg9 : memref<1000xi32, #tpu.memory_space<vmem>>) target_semaphore(%run_scoped3A_24 : memref<!tpu.dma_semaphore, #tpu.memory_space<semaphore_mem>>)
      %dma_wait3A = tpu.memref_slice %arg3[%run_scoped3A_22, %add3A_21] : memref<2x160000xi32, #tpu.memory_space<hbm>> -> memref<1x1000xi32, #tpu.memory_space<hbm>>
      %dma_wait3A_28 = tpu.memref_squeeze %dma_wait3A : memref<1x1000xi32, #tpu.memory_space<hbm>> -> memref<1000xi32, #tpu.memory_space<hbm>>
      %dma_wait3A_29 = tpu.memref_slice %arg3[%run_scoped3A_22, %add3A_21] : memref<2x160000xi32, #tpu.memory_space<hbm>> -> memref<1x1000xi32, #tpu.memory_space<hbm>>
      %dma_wait3A_30 = tpu.memref_squeeze %dma_wait3A_29 : memref<1x1000xi32, #tpu.memory_space<hbm>> -> memref<1000xi32, #tpu.memory_space<hbm>>
      tpu.wait_dma2 semaphore(%run_scoped3A_24 : memref<!tpu.dma_semaphore, #tpu.memory_space<semaphore_mem>>) src(%dma_wait3A_30 : memref<1000xi32, #tpu.memory_space<hbm>>) dst(%arg9 : memref<1000xi32, #tpu.memory_space<vmem>>)
      tpu.yield
    }) : () -> ()
    "tpu.region"() ({
      %run_scoped3A_24 = tpu.sem_alloc : memref<!tpu.dma_semaphore, #tpu.memory_space<semaphore_mem>>
      %dma_start3A = arith.constant 0 : i32
      %dma_start3A_25 = tpu.memref_slice %arg2[%add3A_19, %dma_start3A] : memref<96000x32xf32, #tpu.memory_space<hbm>> -> memref<1000x32xf32, #tpu.memory_space<hbm>>
      %dma_start3A_26 = arith.constant 0 : i32
      %dma_start3A_27 = tpu.memref_slice %arg2[%add3A_19, %dma_start3A_26] : memref<96000x32xf32, #tpu.memory_space<hbm>> -> memref<1000x32xf32, #tpu.memory_space<hbm>>
      tpu.enqueue_dma source(%dma_start3A_27 : memref<1000x32xf32, #tpu.memory_space<hbm>>) target(%arg10 : memref<1000x32xf32, #tpu.memory_space<vmem>>) target_semaphore(%run_scoped3A_24 : memref<!tpu.dma_semaphore, #tpu.memory_space<semaphore_mem>>)
      %dma_wait3A = arith.constant 0 : i32
      %dma_wait3A_28 = tpu.memref_slice %arg2[%add3A_19, %dma_wait3A] : memref<96000x32xf32, #tpu.memory_space<hbm>> -> memref<1000x32xf32, #tpu.memory_space<hbm>>
      %dma_wait3A_29 = arith.constant 0 : i32
      %dma_wait3A_30 = tpu.memref_slice %arg2[%add3A_19, %dma_wait3A_29] : memref<96000x32xf32, #tpu.memory_space<hbm>> -> memref<1000x32xf32, #tpu.memory_space<hbm>>
      tpu.wait_dma2 semaphore(%run_scoped3A_24 : memref<!tpu.dma_semaphore, #tpu.memory_space<semaphore_mem>>) src(%dma_wait3A_30 : memref<1000x32xf32, #tpu.memory_space<hbm>>) dst(%arg10 : memref<1000x32xf32, #tpu.memory_space<vmem>>)
      tpu.yield
    }) : () -> ()
    "tpu.region"() ({
      %run_scoped3A_24 = tpu.sem_alloc : memref<!tpu.dma_semaphore, #tpu.memory_space<semaphore_mem>>
      %dma_start3A = arith.constant 0 : i32
      %dma_start3A_25 = arith.constant 0 : i32
      %dma_start3A_26 = tpu.memref_slice %arg12[%dma_start3A, %dma_start3A_25] : memref<10000x32xf32, #tpu.memory_space<vmem_shared>> -> memref<10000x32xf32, #tpu.memory_space<vmem_shared>>
      tpu.enqueue_indirect_dma source(%arg10 : memref<1000x32xf32, #tpu.memory_space<vmem>>) target(%dma_start3A_26 : memref<10000x32xf32, #tpu.memory_space<vmem_shared>>) offsets(%arg9 : memref<1000xi32, #tpu.memory_space<vmem>>) semaphore(%run_scoped3A_24 : memref<!tpu.dma_semaphore, #tpu.memory_space<semaphore_mem>>) {add = true}
      %dma_wait3A = arith.constant 0 : i32
      %dma_wait3A_27 = arith.constant 0 : i32
      %dma_wait3A_28 = tpu.memref_slice %arg12[%dma_wait3A, %dma_wait3A_27] : memref<10000x32xf32, #tpu.memory_space<vmem_shared>> -> memref<10000x32xf32, #tpu.memory_space<vmem_shared>>
      tpu.wait_indirect_dma semaphore(%run_scoped3A_24 : memref<!tpu.dma_semaphore, #tpu.memory_space<semaphore_mem>>) src(%arg10 : memref<1000x32xf32, #tpu.memory_space<vmem>>) dst(%dma_wait3A_28 : memref<10000x32xf32, #tpu.memory_space<vmem_shared>>)
      tpu.yield
    }) : () -> ()
    "tpu.region"() ({
      %run_scoped3A_24 = tpu.sem_alloc : memref<!tpu.dma_semaphore, #tpu.memory_space<semaphore_mem>>
      %dma_start3A = arith.constant 0 : i32
      %dma_start3A_25 = arith.constant 0 : i32
      %dma_start3A_26 = tpu.memref_slice %arg13[%dma_start3A, %dma_start3A_25] : memref<10000x16xf32, #tpu.memory_space<vmem_shared>> -> memref<10000x16xf32, #tpu.memory_space<vmem_shared>>
      tpu.enqueue_indirect_dma source(%arg11 : memref<1000x16xf32, #tpu.memory_space<vmem>>) target(%dma_start3A_26 : memref<10000x16xf32, #tpu.memory_space<vmem_shared>>) offsets(%arg9 : memref<1000xi32, #tpu.memory_space<vmem>>) semaphore(%run_scoped3A_24 : memref<!tpu.dma_semaphore, #tpu.memory_space<semaphore_mem>>) {add = true}
      %dma_wait3A = arith.constant 0 : i32
      %dma_wait3A_27 = arith.constant 0 : i32
      %dma_wait3A_28 = tpu.memref_slice %arg13[%dma_wait3A, %dma_wait3A_27] : memref<10000x16xf32, #tpu.memory_space<vmem_shared>> -> memref<10000x16xf32, #tpu.memory_space<vmem_shared>>
      tpu.wait_indirect_dma semaphore(%run_scoped3A_24 : memref<!tpu.dma_semaphore, #tpu.memory_space<semaphore_mem>>) src(%arg11 : memref<1000x16xf32, #tpu.memory_space<vmem>>) dst(%dma_wait3A_28 : memref<10000x16xf32, #tpu.memory_space<vmem_shared>>)
      tpu.yield
    }) : () -> ()
    %barrier3A_23 = arith.constant 0 : index
    tpu.barrier barrier_id(%barrier3A_23)
    "tpu.region"() ({
      %run_scoped3A_24 = tpu.sem_alloc : memref<!tpu.dma_semaphore, #tpu.memory_space<semaphore_mem>>
      %dma_start3A = arith.constant 0 : i32
      %dma_start3A_25 = tpu.memref_slice %arg7[%arg0, %mul3A_0, %dma_start3A] : memref<2x10000x32xf32, #tpu.memory_space<hbm>> -> memref<1x625x32xf32, #tpu.memory_space<hbm>>
      %dma_start3A_26 = tpu.memref_squeeze %dma_start3A_25 : memref<1x625x32xf32, #tpu.memory_space<hbm>> -> memref<625x32xf32, #tpu.memory_space<hbm>>
      %dma_start3A_27 = arith.constant 0 : i32
      %dma_start3A_28 = tpu.memref_slice %arg12[%mul3A_0, %dma_start3A_27] : memref<10000x32xf32, #tpu.memory_space<vmem_shared>> -> memref<625x32xf32, #tpu.memory_space<vmem_shared>>
      tpu.enqueue_dma source(%dma_start3A_28 : memref<625x32xf32, #tpu.memory_space<vmem_shared>>) target(%dma_start3A_26 : memref<625x32xf32, #tpu.memory_space<hbm>>) target_semaphore(%run_scoped3A_24 : memref<!tpu.dma_semaphore, #tpu.memory_space<semaphore_mem>>)
      %dma_wait3A = arith.constant 0 : i32
      %dma_wait3A_29 = tpu.memref_slice %arg7[%arg0, %mul3A_0, %dma_wait3A] : memref<2x10000x32xf32, #tpu.memory_space<hbm>> -> memref<1x625x32xf32, #tpu.memory_space<hbm>>
      %dma_wait3A_30 = tpu.memref_squeeze %dma_wait3A_29 : memref<1x625x32xf32, #tpu.memory_space<hbm>> -> memref<625x32xf32, #tpu.memory_space<hbm>>
      %dma_wait3A_31 = arith.constant 0 : i32
      %dma_wait3A_32 = tpu.memref_slice %arg12[%mul3A_0, %dma_wait3A_31] : memref<10000x32xf32, #tpu.memory_space<vmem_shared>> -> memref<625x32xf32, #tpu.memory_space<vmem_shared>>
      tpu.wait_dma2 semaphore(%run_scoped3A_24 : memref<!tpu.dma_semaphore, #tpu.memory_space<semaphore_mem>>) src(%dma_wait3A_32 : memref<625x32xf32, #tpu.memory_space<vmem_shared>>) dst(%dma_wait3A_30 : memref<625x32xf32, #tpu.memory_space<hbm>>)
      tpu.yield
    }) : () -> ()
    "tpu.region"() ({
      %run_scoped3A_24 = tpu.sem_alloc : memref<!tpu.dma_semaphore, #tpu.memory_space<semaphore_mem>>
      %dma_start3A = arith.constant 0 : i32
      %dma_start3A_25 = tpu.memref_slice %arg8[%arg0, %mul3A_0, %dma_start3A] : memref<2x10000x16xf32, #tpu.memory_space<hbm>> -> memref<1x625x16xf32, #tpu.memory_space<hbm>>
      %dma_start3A_26 = tpu.memref_squeeze %dma_start3A_25 : memref<1x625x16xf32, #tpu.memory_space<hbm>> -> memref<625x16xf32, #tpu.memory_space<hbm>>
      %dma_start3A_27 = arith.constant 0 : i32
      %dma_start3A_28 = tpu.memref_slice %arg13[%mul3A_0, %dma_start3A_27] : memref<10000x16xf32, #tpu.memory_space<vmem_shared>> -> memref<625x16xf32, #tpu.memory_space<vmem_shared>>
      tpu.enqueue_dma source(%dma_start3A_28 : memref<625x16xf32, #tpu.memory_space<vmem_shared>>) target(%dma_start3A_26 : memref<625x16xf32, #tpu.memory_space<hbm>>) target_semaphore(%run_scoped3A_24 : memref<!tpu.dma_semaphore, #tpu.memory_space<semaphore_mem>>)
      %dma_wait3A = arith.constant 0 : i32
      %dma_wait3A_29 = tpu.memref_slice %arg8[%arg0, %mul3A_0, %dma_wait3A] : memref<2x10000x16xf32, #tpu.memory_space<hbm>> -> memref<1x625x16xf32, #tpu.memory_space<hbm>>
      %dma_wait3A_30 = tpu.memref_squeeze %dma_wait3A_29 : memref<1x625x16xf32, #tpu.memory_space<hbm>> -> memref<625x16xf32, #tpu.memory_space<hbm>>
      %dma_wait3A_31 = arith.constant 0 : i32
      %dma_wait3A_32 = tpu.memref_slice %arg13[%mul3A_0, %dma_wait3A_31] : memref<10000x16xf32, #tpu.memory_space<vmem_shared>> -> memref<625x16xf32, #tpu.memory_space<vmem_shared>>
      tpu.wait_dma2 semaphore(%run_scoped3A_24 : memref<!tpu.dma_semaphore, #tpu.memory_space<semaphore_mem>>) src(%dma_wait3A_32 : memref<625x16xf32, #tpu.memory_space<vmem_shared>>) dst(%dma_wait3A_30 : memref<625x16xf32, #tpu.memory_space<hbm>>)
      tpu.yield
    }) : () -> ()
    return
  }
}

#map = affine_map<(d0, d1) -> (0, 0)>
module attributes {stable_mosaic.version = 14 : i64} {
  func.func @body(%arg0: i32, %arg1: i32, %arg2: memref<10000x32xf32, #tpu.memory_space<hbm>>, %arg3: memref<2x160000xi32, #tpu.memory_space<hbm>>, %arg4: memref<96000x32xf32, #tpu.memory_space<hbm>>, %arg5: memref<1000xi32, #tpu.memory_space<vmem>>, %arg6: memref<1000x32xf32, #tpu.memory_space<vmem>>, %arg7: memref<!tpu.dma_semaphore, #tpu.memory_space<semaphore_mem>>) attributes {dimension_semantics = [#tpu.dimension_semantics<core_parallel>, #tpu.dimension_semantics<subcore_parallel>], iteration_bounds = array<i64: 2, 16>, scalar_prefetch = 0 : i64, scratch_operands = 3 : i64, tpu.core_type = #tpu.core_type<sc_vector_subcore>, window_params = [{transform_indices = #map}, {transform_indices = #map}, {transform_indices = #map}]} {
    %mul3A = arith.constant 2 : i32
    %mul3A_0 = arith.muli %arg1, %mul3A : i32
    %add3A = arith.addi %mul3A_0, %arg0 : i32
    %mul3A_1 = arith.constant 3000 : i32
    %mul3A_2 = arith.muli %add3A, %mul3A_1 : i32
    %add3A_3 = arith.constant 0 : i32
    %add3A_4 = arith.addi %mul3A_2, %add3A_3 : i32
    %add3A_5 = arith.constant 0 : i32
    %add3A_6 = arith.addi %add3A_5, %add3A_4 : i32
    %run_scoped3A = arith.constant 1 : i32
    "tpu.region"() ({
      %run_scoped3A_37 = tpu.sem_alloc : memref<!tpu.dma_semaphore, #tpu.memory_space<semaphore_mem>>
      %dma_start3A_38 = tpu.memref_slice %arg3[%run_scoped3A, %add3A_6] : memref<2x160000xi32, #tpu.memory_space<hbm>> -> memref<1x1000xi32, #tpu.memory_space<hbm>>
      %dma_start3A_39 = tpu.memref_squeeze %dma_start3A_38 : memref<1x1000xi32, #tpu.memory_space<hbm>> -> memref<1000xi32, #tpu.memory_space<hbm>>
      %dma_start3A_40 = tpu.memref_slice %arg3[%run_scoped3A, %add3A_6] : memref<2x160000xi32, #tpu.memory_space<hbm>> -> memref<1x1000xi32, #tpu.memory_space<hbm>>
      %dma_start3A_41 = tpu.memref_squeeze %dma_start3A_40 : memref<1x1000xi32, #tpu.memory_space<hbm>> -> memref<1000xi32, #tpu.memory_space<hbm>>
      tpu.enqueue_dma source(%dma_start3A_41 : memref<1000xi32, #tpu.memory_space<hbm>>) target(%arg5 : memref<1000xi32, #tpu.memory_space<vmem>>) target_semaphore(%run_scoped3A_37 : memref<!tpu.dma_semaphore, #tpu.memory_space<semaphore_mem>>)
      %dma_wait3A_42 = tpu.memref_slice %arg3[%run_scoped3A, %add3A_6] : memref<2x160000xi32, #tpu.memory_space<hbm>> -> memref<1x1000xi32, #tpu.memory_space<hbm>>
      %dma_wait3A_43 = tpu.memref_squeeze %dma_wait3A_42 : memref<1x1000xi32, #tpu.memory_space<hbm>> -> memref<1000xi32, #tpu.memory_space<hbm>>
      %dma_wait3A_44 = tpu.memref_slice %arg3[%run_scoped3A, %add3A_6] : memref<2x160000xi32, #tpu.memory_space<hbm>> -> memref<1x1000xi32, #tpu.memory_space<hbm>>
      %dma_wait3A_45 = tpu.memref_squeeze %dma_wait3A_44 : memref<1x1000xi32, #tpu.memory_space<hbm>> -> memref<1000xi32, #tpu.memory_space<hbm>>
      tpu.wait_dma2 semaphore(%run_scoped3A_37 : memref<!tpu.dma_semaphore, #tpu.memory_space<semaphore_mem>>) src(%dma_wait3A_45 : memref<1000xi32, #tpu.memory_space<hbm>>) dst(%arg5 : memref<1000xi32, #tpu.memory_space<vmem>>)
      tpu.yield
    }) : () -> ()
    %dma_start3A = arith.constant 0 : i32
    %dma_start3A_7 = arith.constant 0 : i32
    %dma_start3A_8 = tpu.memref_slice %arg2[%dma_start3A, %dma_start3A_7] : memref<10000x32xf32, #tpu.memory_space<hbm>> -> memref<10000x32xf32, #tpu.memory_space<hbm>>
    tpu.enqueue_indirect_dma source(%dma_start3A_8 : memref<10000x32xf32, #tpu.memory_space<hbm>>) target(%arg6 : memref<1000x32xf32, #tpu.memory_space<vmem>>) offsets(%arg5 : memref<1000xi32, #tpu.memory_space<vmem>>) semaphore(%arg7 : memref<!tpu.dma_semaphore, #tpu.memory_space<semaphore_mem>>)
    %dma_wait3A = arith.constant 0 : i32
    %dma_wait3A_9 = arith.constant 0 : i32
    %dma_wait3A_10 = tpu.memref_slice %arg2[%dma_wait3A, %dma_wait3A_9] : memref<10000x32xf32, #tpu.memory_space<hbm>> -> memref<10000x32xf32, #tpu.memory_space<hbm>>
    tpu.wait_indirect_dma semaphore(%arg7 : memref<!tpu.dma_semaphore, #tpu.memory_space<semaphore_mem>>) src(%dma_wait3A_10 : memref<10000x32xf32, #tpu.memory_space<hbm>>) dst(%arg6 : memref<1000x32xf32, #tpu.memory_space<vmem>>)
    "tpu.region"() ({
      %run_scoped3A_37 = tpu.sem_alloc : memref<!tpu.dma_semaphore, #tpu.memory_space<semaphore_mem>>
      %dma_start3A_38 = arith.constant 0 : i32
      %dma_start3A_39 = tpu.memref_slice %arg4[%add3A_4, %dma_start3A_38] : memref<96000x32xf32, #tpu.memory_space<hbm>> -> memref<1000x32xf32, #tpu.memory_space<hbm>>
      %dma_start3A_40 = arith.constant 0 : i32
      %dma_start3A_41 = tpu.memref_slice %arg4[%add3A_4, %dma_start3A_40] : memref<96000x32xf32, #tpu.memory_space<hbm>> -> memref<1000x32xf32, #tpu.memory_space<hbm>>
      tpu.enqueue_dma source(%arg6 : memref<1000x32xf32, #tpu.memory_space<vmem>>) target(%dma_start3A_41 : memref<1000x32xf32, #tpu.memory_space<hbm>>) target_semaphore(%run_scoped3A_37 : memref<!tpu.dma_semaphore, #tpu.memory_space<semaphore_mem>>)
      %dma_wait3A_42 = arith.constant 0 : i32
      %dma_wait3A_43 = tpu.memref_slice %arg4[%add3A_4, %dma_wait3A_42] : memref<96000x32xf32, #tpu.memory_space<hbm>> -> memref<1000x32xf32, #tpu.memory_space<hbm>>
      %dma_wait3A_44 = arith.constant 0 : i32
      %dma_wait3A_45 = tpu.memref_slice %arg4[%add3A_4, %dma_wait3A_44] : memref<96000x32xf32, #tpu.memory_space<hbm>> -> memref<1000x32xf32, #tpu.memory_space<hbm>>
      tpu.wait_dma2 semaphore(%run_scoped3A_37 : memref<!tpu.dma_semaphore, #tpu.memory_space<semaphore_mem>>) src(%arg6 : memref<1000x32xf32, #tpu.memory_space<vmem>>) dst(%dma_wait3A_45 : memref<1000x32xf32, #tpu.memory_space<hbm>>)
      tpu.yield
    }) : () -> ()
    %mul3A_11 = arith.constant 3000 : i32
    %mul3A_12 = arith.muli %add3A, %mul3A_11 : i32
    %add3A_13 = arith.constant 1000 : i32
    %add3A_14 = arith.addi %mul3A_12, %add3A_13 : i32
    %add3A_15 = arith.constant 0 : i32
    %add3A_16 = arith.addi %add3A_15, %add3A_14 : i32
    %run_scoped3A_17 = arith.constant 1 : i32
    "tpu.region"() ({
      %run_scoped3A_37 = tpu.sem_alloc : memref<!tpu.dma_semaphore, #tpu.memory_space<semaphore_mem>>
      %dma_start3A_38 = tpu.memref_slice %arg3[%run_scoped3A_17, %add3A_16] : memref<2x160000xi32, #tpu.memory_space<hbm>> -> memref<1x1000xi32, #tpu.memory_space<hbm>>
      %dma_start3A_39 = tpu.memref_squeeze %dma_start3A_38 : memref<1x1000xi32, #tpu.memory_space<hbm>> -> memref<1000xi32, #tpu.memory_space<hbm>>
      %dma_start3A_40 = tpu.memref_slice %arg3[%run_scoped3A_17, %add3A_16] : memref<2x160000xi32, #tpu.memory_space<hbm>> -> memref<1x1000xi32, #tpu.memory_space<hbm>>
      %dma_start3A_41 = tpu.memref_squeeze %dma_start3A_40 : memref<1x1000xi32, #tpu.memory_space<hbm>> -> memref<1000xi32, #tpu.memory_space<hbm>>
      tpu.enqueue_dma source(%dma_start3A_41 : memref<1000xi32, #tpu.memory_space<hbm>>) target(%arg5 : memref<1000xi32, #tpu.memory_space<vmem>>) target_semaphore(%run_scoped3A_37 : memref<!tpu.dma_semaphore, #tpu.memory_space<semaphore_mem>>)
      %dma_wait3A_42 = tpu.memref_slice %arg3[%run_scoped3A_17, %add3A_16] : memref<2x160000xi32, #tpu.memory_space<hbm>> -> memref<1x1000xi32, #tpu.memory_space<hbm>>
      %dma_wait3A_43 = tpu.memref_squeeze %dma_wait3A_42 : memref<1x1000xi32, #tpu.memory_space<hbm>> -> memref<1000xi32, #tpu.memory_space<hbm>>
      %dma_wait3A_44 = tpu.memref_slice %arg3[%run_scoped3A_17, %add3A_16] : memref<2x160000xi32, #tpu.memory_space<hbm>> -> memref<1x1000xi32, #tpu.memory_space<hbm>>
      %dma_wait3A_45 = tpu.memref_squeeze %dma_wait3A_44 : memref<1x1000xi32, #tpu.memory_space<hbm>> -> memref<1000xi32, #tpu.memory_space<hbm>>
      tpu.wait_dma2 semaphore(%run_scoped3A_37 : memref<!tpu.dma_semaphore, #tpu.memory_space<semaphore_mem>>) src(%dma_wait3A_45 : memref<1000xi32, #tpu.memory_space<hbm>>) dst(%arg5 : memref<1000xi32, #tpu.memory_space<vmem>>)
      tpu.yield
    }) : () -> ()
    %dma_start3A_18 = arith.constant 0 : i32
    %dma_start3A_19 = arith.constant 0 : i32
    %dma_start3A_20 = tpu.memref_slice %arg2[%dma_start3A_18, %dma_start3A_19] : memref<10000x32xf32, #tpu.memory_space<hbm>> -> memref<10000x32xf32, #tpu.memory_space<hbm>>
    tpu.enqueue_indirect_dma source(%dma_start3A_20 : memref<10000x32xf32, #tpu.memory_space<hbm>>) target(%arg6 : memref<1000x32xf32, #tpu.memory_space<vmem>>) offsets(%arg5 : memref<1000xi32, #tpu.memory_space<vmem>>) semaphore(%arg7 : memref<!tpu.dma_semaphore, #tpu.memory_space<semaphore_mem>>)
    %dma_wait3A_21 = arith.constant 0 : i32
    %dma_wait3A_22 = arith.constant 0 : i32
    %dma_wait3A_23 = tpu.memref_slice %arg2[%dma_wait3A_21, %dma_wait3A_22] : memref<10000x32xf32, #tpu.memory_space<hbm>> -> memref<10000x32xf32, #tpu.memory_space<hbm>>
    tpu.wait_indirect_dma semaphore(%arg7 : memref<!tpu.dma_semaphore, #tpu.memory_space<semaphore_mem>>) src(%dma_wait3A_23 : memref<10000x32xf32, #tpu.memory_space<hbm>>) dst(%arg6 : memref<1000x32xf32, #tpu.memory_space<vmem>>)
    "tpu.region"() ({
      %run_scoped3A_37 = tpu.sem_alloc : memref<!tpu.dma_semaphore, #tpu.memory_space<semaphore_mem>>
      %dma_start3A_38 = arith.constant 0 : i32
      %dma_start3A_39 = tpu.memref_slice %arg4[%add3A_14, %dma_start3A_38] : memref<96000x32xf32, #tpu.memory_space<hbm>> -> memref<1000x32xf32, #tpu.memory_space<hbm>>
      %dma_start3A_40 = arith.constant 0 : i32
      %dma_start3A_41 = tpu.memref_slice %arg4[%add3A_14, %dma_start3A_40] : memref<96000x32xf32, #tpu.memory_space<hbm>> -> memref<1000x32xf32, #tpu.memory_space<hbm>>
      tpu.enqueue_dma source(%arg6 : memref<1000x32xf32, #tpu.memory_space<vmem>>) target(%dma_start3A_41 : memref<1000x32xf32, #tpu.memory_space<hbm>>) target_semaphore(%run_scoped3A_37 : memref<!tpu.dma_semaphore, #tpu.memory_space<semaphore_mem>>)
      %dma_wait3A_42 = arith.constant 0 : i32
      %dma_wait3A_43 = tpu.memref_slice %arg4[%add3A_14, %dma_wait3A_42] : memref<96000x32xf32, #tpu.memory_space<hbm>> -> memref<1000x32xf32, #tpu.memory_space<hbm>>
      %dma_wait3A_44 = arith.constant 0 : i32
      %dma_wait3A_45 = tpu.memref_slice %arg4[%add3A_14, %dma_wait3A_44] : memref<96000x32xf32, #tpu.memory_space<hbm>> -> memref<1000x32xf32, #tpu.memory_space<hbm>>
      tpu.wait_dma2 semaphore(%run_scoped3A_37 : memref<!tpu.dma_semaphore, #tpu.memory_space<semaphore_mem>>) src(%arg6 : memref<1000x32xf32, #tpu.memory_space<vmem>>) dst(%dma_wait3A_45 : memref<1000x32xf32, #tpu.memory_space<hbm>>)
      tpu.yield
    }) : () -> ()
    %mul3A_24 = arith.constant 3000 : i32
    %mul3A_25 = arith.muli %add3A, %mul3A_24 : i32
    %add3A_26 = arith.constant 2000 : i32
    %add3A_27 = arith.addi %mul3A_25, %add3A_26 : i32
    %add3A_28 = arith.constant 0 : i32
    %add3A_29 = arith.addi %add3A_28, %add3A_27 : i32
    %run_scoped3A_30 = arith.constant 1 : i32
    "tpu.region"() ({
      %run_scoped3A_37 = tpu.sem_alloc : memref<!tpu.dma_semaphore, #tpu.memory_space<semaphore_mem>>
      %dma_start3A_38 = tpu.memref_slice %arg3[%run_scoped3A_30, %add3A_29] : memref<2x160000xi32, #tpu.memory_space<hbm>> -> memref<1x1000xi32, #tpu.memory_space<hbm>>
      %dma_start3A_39 = tpu.memref_squeeze %dma_start3A_38 : memref<1x1000xi32, #tpu.memory_space<hbm>> -> memref<1000xi32, #tpu.memory_space<hbm>>
      %dma_start3A_40 = tpu.memref_slice %arg3[%run_scoped3A_30, %add3A_29] : memref<2x160000xi32, #tpu.memory_space<hbm>> -> memref<1x1000xi32, #tpu.memory_space<hbm>>
      %dma_start3A_41 = tpu.memref_squeeze %dma_start3A_40 : memref<1x1000xi32, #tpu.memory_space<hbm>> -> memref<1000xi32, #tpu.memory_space<hbm>>
      tpu.enqueue_dma source(%dma_start3A_41 : memref<1000xi32, #tpu.memory_space<hbm>>) target(%arg5 : memref<1000xi32, #tpu.memory_space<vmem>>) target_semaphore(%run_scoped3A_37 : memref<!tpu.dma_semaphore, #tpu.memory_space<semaphore_mem>>)
      %dma_wait3A_42 = tpu.memref_slice %arg3[%run_scoped3A_30, %add3A_29] : memref<2x160000xi32, #tpu.memory_space<hbm>> -> memref<1x1000xi32, #tpu.memory_space<hbm>>
      %dma_wait3A_43 = tpu.memref_squeeze %dma_wait3A_42 : memref<1x1000xi32, #tpu.memory_space<hbm>> -> memref<1000xi32, #tpu.memory_space<hbm>>
      %dma_wait3A_44 = tpu.memref_slice %arg3[%run_scoped3A_30, %add3A_29] : memref<2x160000xi32, #tpu.memory_space<hbm>> -> memref<1x1000xi32, #tpu.memory_space<hbm>>
      %dma_wait3A_45 = tpu.memref_squeeze %dma_wait3A_44 : memref<1x1000xi32, #tpu.memory_space<hbm>> -> memref<1000xi32, #tpu.memory_space<hbm>>
      tpu.wait_dma2 semaphore(%run_scoped3A_37 : memref<!tpu.dma_semaphore, #tpu.memory_space<semaphore_mem>>) src(%dma_wait3A_45 : memref<1000xi32, #tpu.memory_space<hbm>>) dst(%arg5 : memref<1000xi32, #tpu.memory_space<vmem>>)
      tpu.yield
    }) : () -> ()
    %dma_start3A_31 = arith.constant 0 : i32
    %dma_start3A_32 = arith.constant 0 : i32
    %dma_start3A_33 = tpu.memref_slice %arg2[%dma_start3A_31, %dma_start3A_32] : memref<10000x32xf32, #tpu.memory_space<hbm>> -> memref<10000x32xf32, #tpu.memory_space<hbm>>
    tpu.enqueue_indirect_dma source(%dma_start3A_33 : memref<10000x32xf32, #tpu.memory_space<hbm>>) target(%arg6 : memref<1000x32xf32, #tpu.memory_space<vmem>>) offsets(%arg5 : memref<1000xi32, #tpu.memory_space<vmem>>) semaphore(%arg7 : memref<!tpu.dma_semaphore, #tpu.memory_space<semaphore_mem>>)
    %dma_wait3A_34 = arith.constant 0 : i32
    %dma_wait3A_35 = arith.constant 0 : i32
    %dma_wait3A_36 = tpu.memref_slice %arg2[%dma_wait3A_34, %dma_wait3A_35] : memref<10000x32xf32, #tpu.memory_space<hbm>> -> memref<10000x32xf32, #tpu.memory_space<hbm>>
    tpu.wait_indirect_dma semaphore(%arg7 : memref<!tpu.dma_semaphore, #tpu.memory_space<semaphore_mem>>) src(%dma_wait3A_36 : memref<10000x32xf32, #tpu.memory_space<hbm>>) dst(%arg6 : memref<1000x32xf32, #tpu.memory_space<vmem>>)
    "tpu.region"() ({
      %run_scoped3A_37 = tpu.sem_alloc : memref<!tpu.dma_semaphore, #tpu.memory_space<semaphore_mem>>
      %dma_start3A_38 = arith.constant 0 : i32
      %dma_start3A_39 = tpu.memref_slice %arg4[%add3A_27, %dma_start3A_38] : memref<96000x32xf32, #tpu.memory_space<hbm>> -> memref<1000x32xf32, #tpu.memory_space<hbm>>
      %dma_start3A_40 = arith.constant 0 : i32
      %dma_start3A_41 = tpu.memref_slice %arg4[%add3A_27, %dma_start3A_40] : memref<96000x32xf32, #tpu.memory_space<hbm>> -> memref<1000x32xf32, #tpu.memory_space<hbm>>
      tpu.enqueue_dma source(%arg6 : memref<1000x32xf32, #tpu.memory_space<vmem>>) target(%dma_start3A_41 : memref<1000x32xf32, #tpu.memory_space<hbm>>) target_semaphore(%run_scoped3A_37 : memref<!tpu.dma_semaphore, #tpu.memory_space<semaphore_mem>>)
      %dma_wait3A_42 = arith.constant 0 : i32
      %dma_wait3A_43 = tpu.memref_slice %arg4[%add3A_27, %dma_wait3A_42] : memref<96000x32xf32, #tpu.memory_space<hbm>> -> memref<1000x32xf32, #tpu.memory_space<hbm>>
      %dma_wait3A_44 = arith.constant 0 : i32
      %dma_wait3A_45 = tpu.memref_slice %arg4[%add3A_27, %dma_wait3A_44] : memref<96000x32xf32, #tpu.memory_space<hbm>> -> memref<1000x32xf32, #tpu.memory_space<hbm>>
      tpu.wait_dma2 semaphore(%run_scoped3A_37 : memref<!tpu.dma_semaphore, #tpu.memory_space<semaphore_mem>>) src(%arg6 : memref<1000x32xf32, #tpu.memory_space<vmem>>) dst(%dma_wait3A_45 : memref<1000x32xf32, #tpu.memory_space<hbm>>)
      tpu.yield
    }) : () -> ()
    return
  }
}

#map = affine_map<(d0, d1) -> (0, 0)>
module attributes {stable_mosaic.version = 14 : i64} {
  func.func @body(%arg0: i32, %arg1: i32, %arg2: memref<10000x32xf32, #tpu.memory_space<hbm>>, %arg3: memref<2x160000xi32, #tpu.memory_space<hbm>>, %arg4: memref<64000x32xf32, #tpu.memory_space<hbm>>, %arg5: memref<1000xi32, #tpu.memory_space<vmem>>, %arg6: memref<1000x32xf32, #tpu.memory_space<vmem>>, %arg7: memref<!tpu.dma_semaphore, #tpu.memory_space<semaphore_mem>>) attributes {dimension_semantics = [#tpu.dimension_semantics<core_parallel>, #tpu.dimension_semantics<subcore_parallel>], iteration_bounds = array<i64: 2, 16>, scalar_prefetch = 0 : i64, scratch_operands = 3 : i64, tpu.core_type = #tpu.core_type<sc_vector_subcore>, window_params = [{transform_indices = #map}, {transform_indices = #map}, {transform_indices = #map}]} {
    %mul3A = arith.constant 2 : i32
    %mul3A_0 = arith.muli %arg1, %mul3A : i32
    %add3A = arith.addi %mul3A_0, %arg0 : i32
    %mul3A_1 = arith.constant 2000 : i32
    %mul3A_2 = arith.muli %add3A, %mul3A_1 : i32
    %add3A_3 = arith.constant 0 : i32
    %add3A_4 = arith.addi %mul3A_2, %add3A_3 : i32
    %add3A_5 = arith.constant 96000 : i32
    %add3A_6 = arith.addi %add3A_5, %add3A_4 : i32
    %run_scoped3A = arith.constant 1 : i32
    "tpu.region"() ({
      %run_scoped3A_24 = tpu.sem_alloc : memref<!tpu.dma_semaphore, #tpu.memory_space<semaphore_mem>>
      %dma_start3A_25 = tpu.memref_slice %arg3[%run_scoped3A, %add3A_6] : memref<2x160000xi32, #tpu.memory_space<hbm>> -> memref<1x1000xi32, #tpu.memory_space<hbm>>
      %dma_start3A_26 = tpu.memref_squeeze %dma_start3A_25 : memref<1x1000xi32, #tpu.memory_space<hbm>> -> memref<1000xi32, #tpu.memory_space<hbm>>
      %dma_start3A_27 = tpu.memref_slice %arg3[%run_scoped3A, %add3A_6] : memref<2x160000xi32, #tpu.memory_space<hbm>> -> memref<1x1000xi32, #tpu.memory_space<hbm>>
      %dma_start3A_28 = tpu.memref_squeeze %dma_start3A_27 : memref<1x1000xi32, #tpu.memory_space<hbm>> -> memref<1000xi32, #tpu.memory_space<hbm>>
      tpu.enqueue_dma source(%dma_start3A_28 : memref<1000xi32, #tpu.memory_space<hbm>>) target(%arg5 : memref<1000xi32, #tpu.memory_space<vmem>>) target_semaphore(%run_scoped3A_24 : memref<!tpu.dma_semaphore, #tpu.memory_space<semaphore_mem>>)
      %dma_wait3A_29 = tpu.memref_slice %arg3[%run_scoped3A, %add3A_6] : memref<2x160000xi32, #tpu.memory_space<hbm>> -> memref<1x1000xi32, #tpu.memory_space<hbm>>
      %dma_wait3A_30 = tpu.memref_squeeze %dma_wait3A_29 : memref<1x1000xi32, #tpu.memory_space<hbm>> -> memref<1000xi32, #tpu.memory_space<hbm>>
      %dma_wait3A_31 = tpu.memref_slice %arg3[%run_scoped3A, %add3A_6] : memref<2x160000xi32, #tpu.memory_space<hbm>> -> memref<1x1000xi32, #tpu.memory_space<hbm>>
      %dma_wait3A_32 = tpu.memref_squeeze %dma_wait3A_31 : memref<1x1000xi32, #tpu.memory_space<hbm>> -> memref<1000xi32, #tpu.memory_space<hbm>>
      tpu.wait_dma2 semaphore(%run_scoped3A_24 : memref<!tpu.dma_semaphore, #tpu.memory_space<semaphore_mem>>) src(%dma_wait3A_32 : memref<1000xi32, #tpu.memory_space<hbm>>) dst(%arg5 : memref<1000xi32, #tpu.memory_space<vmem>>)
      tpu.yield
    }) : () -> ()
    %dma_start3A = arith.constant 0 : i32
    %dma_start3A_7 = arith.constant 0 : i32
    %dma_start3A_8 = tpu.memref_slice %arg2[%dma_start3A, %dma_start3A_7] : memref<10000x32xf32, #tpu.memory_space<hbm>> -> memref<10000x32xf32, #tpu.memory_space<hbm>>
    tpu.enqueue_indirect_dma source(%dma_start3A_8 : memref<10000x32xf32, #tpu.memory_space<hbm>>) target(%arg6 : memref<1000x32xf32, #tpu.memory_space<vmem>>) offsets(%arg5 : memref<1000xi32, #tpu.memory_space<vmem>>) semaphore(%arg7 : memref<!tpu.dma_semaphore, #tpu.memory_space<semaphore_mem>>)
    %dma_wait3A = arith.constant 0 : i32
    %dma_wait3A_9 = arith.constant 0 : i32
    %dma_wait3A_10 = tpu.memref_slice %arg2[%dma_wait3A, %dma_wait3A_9] : memref<10000x32xf32, #tpu.memory_space<hbm>> -> memref<10000x32xf32, #tpu.memory_space<hbm>>
    tpu.wait_indirect_dma semaphore(%arg7 : memref<!tpu.dma_semaphore, #tpu.memory_space<semaphore_mem>>) src(%dma_wait3A_10 : memref<10000x32xf32, #tpu.memory_space<hbm>>) dst(%arg6 : memref<1000x32xf32, #tpu.memory_space<vmem>>)
    "tpu.region"() ({
      %run_scoped3A_24 = tpu.sem_alloc : memref<!tpu.dma_semaphore, #tpu.memory_space<semaphore_mem>>
      %dma_start3A_25 = arith.constant 0 : i32
      %dma_start3A_26 = tpu.memref_slice %arg4[%add3A_4, %dma_start3A_25] : memref<64000x32xf32, #tpu.memory_space<hbm>> -> memref<1000x32xf32, #tpu.memory_space<hbm>>
      %dma_start3A_27 = arith.constant 0 : i32
      %dma_start3A_28 = tpu.memref_slice %arg4[%add3A_4, %dma_start3A_27] : memref<64000x32xf32, #tpu.memory_space<hbm>> -> memref<1000x32xf32, #tpu.memory_space<hbm>>
      tpu.enqueue_dma source(%arg6 : memref<1000x32xf32, #tpu.memory_space<vmem>>) target(%dma_start3A_28 : memref<1000x32xf32, #tpu.memory_space<hbm>>) target_semaphore(%run_scoped3A_24 : memref<!tpu.dma_semaphore, #tpu.memory_space<semaphore_mem>>)
      %dma_wait3A_29 = arith.constant 0 : i32
      %dma_wait3A_30 = tpu.memref_slice %arg4[%add3A_4, %dma_wait3A_29] : memref<64000x32xf32, #tpu.memory_space<hbm>> -> memref<1000x32xf32, #tpu.memory_space<hbm>>
      %dma_wait3A_31 = arith.constant 0 : i32
      %dma_wait3A_32 = tpu.memref_slice %arg4[%add3A_4, %dma_wait3A_31] : memref<64000x32xf32, #tpu.memory_space<hbm>> -> memref<1000x32xf32, #tpu.memory_space<hbm>>
      tpu.wait_dma2 semaphore(%run_scoped3A_24 : memref<!tpu.dma_semaphore, #tpu.memory_space<semaphore_mem>>) src(%arg6 : memref<1000x32xf32, #tpu.memory_space<vmem>>) dst(%dma_wait3A_32 : memref<1000x32xf32, #tpu.memory_space<hbm>>)
      tpu.yield
    }) : () -> ()
    %mul3A_11 = arith.constant 2000 : i32
    %mul3A_12 = arith.muli %add3A, %mul3A_11 : i32
    %add3A_13 = arith.constant 1000 : i32
    %add3A_14 = arith.addi %mul3A_12, %add3A_13 : i32
    %add3A_15 = arith.constant 96000 : i32
    %add3A_16 = arith.addi %add3A_15, %add3A_14 : i32
    %run_scoped3A_17 = arith.constant 1 : i32
    "tpu.region"() ({
      %run_scoped3A_24 = tpu.sem_alloc : memref<!tpu.dma_semaphore, #tpu.memory_space<semaphore_mem>>
      %dma_start3A_25 = tpu.memref_slice %arg3[%run_scoped3A_17, %add3A_16] : memref<2x160000xi32, #tpu.memory_space<hbm>> -> memref<1x1000xi32, #tpu.memory_space<hbm>>
      %dma_start3A_26 = tpu.memref_squeeze %dma_start3A_25 : memref<1x1000xi32, #tpu.memory_space<hbm>> -> memref<1000xi32, #tpu.memory_space<hbm>>
      %dma_start3A_27 = tpu.memref_slice %arg3[%run_scoped3A_17, %add3A_16] : memref<2x160000xi32, #tpu.memory_space<hbm>> -> memref<1x1000xi32, #tpu.memory_space<hbm>>
      %dma_start3A_28 = tpu.memref_squeeze %dma_start3A_27 : memref<1x1000xi32, #tpu.memory_space<hbm>> -> memref<1000xi32, #tpu.memory_space<hbm>>
      tpu.enqueue_dma source(%dma_start3A_28 : memref<1000xi32, #tpu.memory_space<hbm>>) target(%arg5 : memref<1000xi32, #tpu.memory_space<vmem>>) target_semaphore(%run_scoped3A_24 : memref<!tpu.dma_semaphore, #tpu.memory_space<semaphore_mem>>)
      %dma_wait3A_29 = tpu.memref_slice %arg3[%run_scoped3A_17, %add3A_16] : memref<2x160000xi32, #tpu.memory_space<hbm>> -> memref<1x1000xi32, #tpu.memory_space<hbm>>
      %dma_wait3A_30 = tpu.memref_squeeze %dma_wait3A_29 : memref<1x1000xi32, #tpu.memory_space<hbm>> -> memref<1000xi32, #tpu.memory_space<hbm>>
      %dma_wait3A_31 = tpu.memref_slice %arg3[%run_scoped3A_17, %add3A_16] : memref<2x160000xi32, #tpu.memory_space<hbm>> -> memref<1x1000xi32, #tpu.memory_space<hbm>>
      %dma_wait3A_32 = tpu.memref_squeeze %dma_wait3A_31 : memref<1x1000xi32, #tpu.memory_space<hbm>> -> memref<1000xi32, #tpu.memory_space<hbm>>
      tpu.wait_dma2 semaphore(%run_scoped3A_24 : memref<!tpu.dma_semaphore, #tpu.memory_space<semaphore_mem>>) src(%dma_wait3A_32 : memref<1000xi32, #tpu.memory_space<hbm>>) dst(%arg5 : memref<1000xi32, #tpu.memory_space<vmem>>)
      tpu.yield
    }) : () -> ()
    %dma_start3A_18 = arith.constant 0 : i32
    %dma_start3A_19 = arith.constant 0 : i32
    %dma_start3A_20 = tpu.memref_slice %arg2[%dma_start3A_18, %dma_start3A_19] : memref<10000x32xf32, #tpu.memory_space<hbm>> -> memref<10000x32xf32, #tpu.memory_space<hbm>>
    tpu.enqueue_indirect_dma source(%dma_start3A_20 : memref<10000x32xf32, #tpu.memory_space<hbm>>) target(%arg6 : memref<1000x32xf32, #tpu.memory_space<vmem>>) offsets(%arg5 : memref<1000xi32, #tpu.memory_space<vmem>>) semaphore(%arg7 : memref<!tpu.dma_semaphore, #tpu.memory_space<semaphore_mem>>)
    %dma_wait3A_21 = arith.constant 0 : i32
    %dma_wait3A_22 = arith.constant 0 : i32
    %dma_wait3A_23 = tpu.memref_slice %arg2[%dma_wait3A_21, %dma_wait3A_22] : memref<10000x32xf32, #tpu.memory_space<hbm>> -> memref<10000x32xf32, #tpu.memory_space<hbm>>
    tpu.wait_indirect_dma semaphore(%arg7 : memref<!tpu.dma_semaphore, #tpu.memory_space<semaphore_mem>>) src(%dma_wait3A_23 : memref<10000x32xf32, #tpu.memory_space<hbm>>) dst(%arg6 : memref<1000x32xf32, #tpu.memory_space<vmem>>)
    "tpu.region"() ({
      %run_scoped3A_24 = tpu.sem_alloc : memref<!tpu.dma_semaphore, #tpu.memory_space<semaphore_mem>>
      %dma_start3A_25 = arith.constant 0 : i32
      %dma_start3A_26 = tpu.memref_slice %arg4[%add3A_14, %dma_start3A_25] : memref<64000x32xf32, #tpu.memory_space<hbm>> -> memref<1000x32xf32, #tpu.memory_space<hbm>>
      %dma_start3A_27 = arith.constant 0 : i32
      %dma_start3A_28 = tpu.memref_slice %arg4[%add3A_14, %dma_start3A_27] : memref<64000x32xf32, #tpu.memory_space<hbm>> -> memref<1000x32xf32, #tpu.memory_space<hbm>>
      tpu.enqueue_dma source(%arg6 : memref<1000x32xf32, #tpu.memory_space<vmem>>) target(%dma_start3A_28 : memref<1000x32xf32, #tpu.memory_space<hbm>>) target_semaphore(%run_scoped3A_24 : memref<!tpu.dma_semaphore, #tpu.memory_space<semaphore_mem>>)
      %dma_wait3A_29 = arith.constant 0 : i32
      %dma_wait3A_30 = tpu.memref_slice %arg4[%add3A_14, %dma_wait3A_29] : memref<64000x32xf32, #tpu.memory_space<hbm>> -> memref<1000x32xf32, #tpu.memory_space<hbm>>
      %dma_wait3A_31 = arith.constant 0 : i32
      %dma_wait3A_32 = tpu.memref_slice %arg4[%add3A_14, %dma_wait3A_31] : memref<64000x32xf32, #tpu.memory_space<hbm>> -> memref<1000x32xf32, #tpu.memory_space<hbm>>
      tpu.wait_dma2 semaphore(%run_scoped3A_24 : memref<!tpu.dma_semaphore, #tpu.memory_space<semaphore_mem>>) src(%arg6 : memref<1000x32xf32, #tpu.memory_space<vmem>>) dst(%dma_wait3A_32 : memref<1000x32xf32, #tpu.memory_space<hbm>>)
      tpu.yield
    }) : () -> ()
    return
  }
}

#map = affine_map<(d0, d1) -> (0, 0)>
#map1 = affine_map<(d0, d1) -> (0, 0, 0)>
module attributes {stable_mosaic.version = 14 : i64} {
  func.func @body(%arg0: i32, %arg1: i32, %arg2: memref<64000x32xf32, #tpu.memory_space<hbm>>, %arg3: memref<2x160000xi32, #tpu.memory_space<hbm>>, %arg4: memref<10000x32xf32, #tpu.memory_space<hbm>>, %arg5: memref<10000x16xf32, #tpu.memory_space<hbm>>, %arg6: memref<1000x16xf32, #tpu.memory_space<hbm>>, %arg7: memref<2x10000x32xf32, #tpu.memory_space<hbm>>, %arg8: memref<2x10000x16xf32, #tpu.memory_space<hbm>>, %arg9: memref<1000xi32, #tpu.memory_space<vmem>>, %arg10: memref<1000x32xf32, #tpu.memory_space<vmem>>, %arg11: memref<1000x16xf32, #tpu.memory_space<vmem>>, %arg12: memref<10000x32xf32, #tpu.memory_space<vmem_shared>>, %arg13: memref<10000x16xf32, #tpu.memory_space<vmem_shared>>) attributes {dimension_semantics = [#tpu.dimension_semantics<core_parallel>, #tpu.dimension_semantics<subcore_parallel>], iteration_bounds = array<i64: 2, 16>, scalar_prefetch = 0 : i64, scratch_operands = 5 : i64, tpu.core_type = #tpu.core_type<sc_vector_subcore>, window_params = [{transform_indices = #map}, {transform_indices = #map}, {transform_indices = #map}, {transform_indices = #map}, {transform_indices = #map}, {transform_indices = #map1}, {transform_indices = #map1}]} {
    %mul3A = arith.constant 625 : i32
    %mul3A_0 = arith.muli %arg1, %mul3A : i32
    "tpu.region"() ({
      %run_scoped3A_17 = tpu.sem_alloc : memref<!tpu.dma_semaphore, #tpu.memory_space<semaphore_mem>>
      %dma_start3A = arith.constant 0 : i32
      %dma_start3A_18 = tpu.memref_slice %arg12[%mul3A_0, %dma_start3A] : memref<10000x32xf32, #tpu.memory_space<vmem_shared>> -> memref<625x32xf32, #tpu.memory_space<vmem_shared>>
      %dma_start3A_19 = arith.constant 0 : i32
      %dma_start3A_20 = tpu.memref_slice %arg4[%mul3A_0, %dma_start3A_19] : memref<10000x32xf32, #tpu.memory_space<hbm>> -> memref<625x32xf32, #tpu.memory_space<hbm>>
      tpu.enqueue_dma source(%dma_start3A_20 : memref<625x32xf32, #tpu.memory_space<hbm>>) target(%dma_start3A_18 : memref<625x32xf32, #tpu.memory_space<vmem_shared>>) target_semaphore(%run_scoped3A_17 : memref<!tpu.dma_semaphore, #tpu.memory_space<semaphore_mem>>)
      %dma_wait3A = arith.constant 0 : i32
      %dma_wait3A_21 = tpu.memref_slice %arg12[%mul3A_0, %dma_wait3A] : memref<10000x32xf32, #tpu.memory_space<vmem_shared>> -> memref<625x32xf32, #tpu.memory_space<vmem_shared>>
      %dma_wait3A_22 = arith.constant 0 : i32
      %dma_wait3A_23 = tpu.memref_slice %arg4[%mul3A_0, %dma_wait3A_22] : memref<10000x32xf32, #tpu.memory_space<hbm>> -> memref<625x32xf32, #tpu.memory_space<hbm>>
      tpu.wait_dma2 semaphore(%run_scoped3A_17 : memref<!tpu.dma_semaphore, #tpu.memory_space<semaphore_mem>>) src(%dma_wait3A_23 : memref<625x32xf32, #tpu.memory_space<hbm>>) dst(%dma_wait3A_21 : memref<625x32xf32, #tpu.memory_space<vmem_shared>>)
      tpu.yield
    }) : () -> ()
    "tpu.region"() ({
      %run_scoped3A_17 = tpu.sem_alloc : memref<!tpu.dma_semaphore, #tpu.memory_space<semaphore_mem>>
      %dma_start3A = arith.constant 0 : i32
      %dma_start3A_18 = tpu.memref_slice %arg13[%mul3A_0, %dma_start3A] : memref<10000x16xf32, #tpu.memory_space<vmem_shared>> -> memref<625x16xf32, #tpu.memory_space<vmem_shared>>
      %dma_start3A_19 = arith.constant 0 : i32
      %dma_start3A_20 = tpu.memref_slice %arg5[%mul3A_0, %dma_start3A_19] : memref<10000x16xf32, #tpu.memory_space<hbm>> -> memref<625x16xf32, #tpu.memory_space<hbm>>
      tpu.enqueue_dma source(%dma_start3A_20 : memref<625x16xf32, #tpu.memory_space<hbm>>) target(%dma_start3A_18 : memref<625x16xf32, #tpu.memory_space<vmem_shared>>) target_semaphore(%run_scoped3A_17 : memref<!tpu.dma_semaphore, #tpu.memory_space<semaphore_mem>>)
      %dma_wait3A = arith.constant 0 : i32
      %dma_wait3A_21 = tpu.memref_slice %arg13[%mul3A_0, %dma_wait3A] : memref<10000x16xf32, #tpu.memory_space<vmem_shared>> -> memref<625x16xf32, #tpu.memory_space<vmem_shared>>
      %dma_wait3A_22 = arith.constant 0 : i32
      %dma_wait3A_23 = tpu.memref_slice %arg5[%mul3A_0, %dma_wait3A_22] : memref<10000x16xf32, #tpu.memory_space<hbm>> -> memref<625x16xf32, #tpu.memory_space<hbm>>
      tpu.wait_dma2 semaphore(%run_scoped3A_17 : memref<!tpu.dma_semaphore, #tpu.memory_space<semaphore_mem>>) src(%dma_wait3A_23 : memref<625x16xf32, #tpu.memory_space<hbm>>) dst(%dma_wait3A_21 : memref<625x16xf32, #tpu.memory_space<vmem_shared>>)
      tpu.yield
    }) : () -> ()
    "tpu.region"() ({
      %run_scoped3A_17 = tpu.sem_alloc : memref<!tpu.dma_semaphore, #tpu.memory_space<semaphore_mem>>
      tpu.enqueue_dma source(%arg6 : memref<1000x16xf32, #tpu.memory_space<hbm>>) target(%arg11 : memref<1000x16xf32, #tpu.memory_space<vmem>>) target_semaphore(%run_scoped3A_17 : memref<!tpu.dma_semaphore, #tpu.memory_space<semaphore_mem>>)
      tpu.wait_dma2 semaphore(%run_scoped3A_17 : memref<!tpu.dma_semaphore, #tpu.memory_space<semaphore_mem>>) src(%arg6 : memref<1000x16xf32, #tpu.memory_space<hbm>>) dst(%arg11 : memref<1000x16xf32, #tpu.memory_space<vmem>>)
      tpu.yield
    }) : () -> ()
    %barrier3A = arith.constant 0 : index
    tpu.barrier barrier_id(%barrier3A)
    %mul3A_1 = arith.constant 2 : i32
    %mul3A_2 = arith.muli %arg1, %mul3A_1 : i32
    %add3A = arith.addi %mul3A_2, %arg0 : i32
    %mul3A_3 = arith.constant 2000 : i32
    %mul3A_4 = arith.muli %add3A, %mul3A_3 : i32
    %add3A_5 = arith.constant 0 : i32
    %add3A_6 = arith.addi %mul3A_4, %add3A_5 : i32
    %add3A_7 = arith.constant 96000 : i32
    %add3A_8 = arith.addi %add3A_7, %add3A_6 : i32
    %run_scoped3A = arith.constant 0 : i32
    "tpu.region"() ({
      %run_scoped3A_17 = tpu.sem_alloc : memref<!tpu.dma_semaphore, #tpu.memory_space<semaphore_mem>>
      %dma_start3A = tpu.memref_slice %arg3[%run_scoped3A, %add3A_8] : memref<2x160000xi32, #tpu.memory_space<hbm>> -> memref<1x1000xi32, #tpu.memory_space<hbm>>
      %dma_start3A_18 = tpu.memref_squeeze %dma_start3A : memref<1x1000xi32, #tpu.memory_space<hbm>> -> memref<1000xi32, #tpu.memory_space<hbm>>
      %dma_start3A_19 = tpu.memref_slice %arg3[%run_scoped3A, %add3A_8] : memref<2x160000xi32, #tpu.memory_space<hbm>> -> memref<1x1000xi32, #tpu.memory_space<hbm>>
      %dma_start3A_20 = tpu.memref_squeeze %dma_start3A_19 : memref<1x1000xi32, #tpu.memory_space<hbm>> -> memref<1000xi32, #tpu.memory_space<hbm>>
      tpu.enqueue_dma source(%dma_start3A_20 : memref<1000xi32, #tpu.memory_space<hbm>>) target(%arg9 : memref<1000xi32, #tpu.memory_space<vmem>>) target_semaphore(%run_scoped3A_17 : memref<!tpu.dma_semaphore, #tpu.memory_space<semaphore_mem>>)
      %dma_wait3A = tpu.memref_slice %arg3[%run_scoped3A, %add3A_8] : memref<2x160000xi32, #tpu.memory_space<hbm>> -> memref<1x1000xi32, #tpu.memory_space<hbm>>
      %dma_wait3A_21 = tpu.memref_squeeze %dma_wait3A : memref<1x1000xi32, #tpu.memory_space<hbm>> -> memref<1000xi32, #tpu.memory_space<hbm>>
      %dma_wait3A_22 = tpu.memref_slice %arg3[%run_scoped3A, %add3A_8] : memref<2x160000xi32, #tpu.memory_space<hbm>> -> memref<1x1000xi32, #tpu.memory_space<hbm>>
      %dma_wait3A_23 = tpu.memref_squeeze %dma_wait3A_22 : memref<1x1000xi32, #tpu.memory_space<hbm>> -> memref<1000xi32, #tpu.memory_space<hbm>>
      tpu.wait_dma2 semaphore(%run_scoped3A_17 : memref<!tpu.dma_semaphore, #tpu.memory_space<semaphore_mem>>) src(%dma_wait3A_23 : memref<1000xi32, #tpu.memory_space<hbm>>) dst(%arg9 : memref<1000xi32, #tpu.memory_space<vmem>>)
      tpu.yield
    }) : () -> ()
    "tpu.region"() ({
      %run_scoped3A_17 = tpu.sem_alloc : memref<!tpu.dma_semaphore, #tpu.memory_space<semaphore_mem>>
      %dma_start3A = arith.constant 0 : i32
      %dma_start3A_18 = tpu.memref_slice %arg2[%add3A_6, %dma_start3A] : memref<64000x32xf32, #tpu.memory_space<hbm>> -> memref<1000x32xf32, #tpu.memory_space<hbm>>
      %dma_start3A_19 = arith.constant 0 : i32
      %dma_start3A_20 = tpu.memref_slice %arg2[%add3A_6, %dma_start3A_19] : memref<64000x32xf32, #tpu.memory_space<hbm>> -> memref<1000x32xf32, #tpu.memory_space<hbm>>
      tpu.enqueue_dma source(%dma_start3A_20 : memref<1000x32xf32, #tpu.memory_space<hbm>>) target(%arg10 : memref<1000x32xf32, #tpu.memory_space<vmem>>) target_semaphore(%run_scoped3A_17 : memref<!tpu.dma_semaphore, #tpu.memory_space<semaphore_mem>>)
      %dma_wait3A = arith.constant 0 : i32
      %dma_wait3A_21 = tpu.memref_slice %arg2[%add3A_6, %dma_wait3A] : memref<64000x32xf32, #tpu.memory_space<hbm>> -> memref<1000x32xf32, #tpu.memory_space<hbm>>
      %dma_wait3A_22 = arith.constant 0 : i32
      %dma_wait3A_23 = tpu.memref_slice %arg2[%add3A_6, %dma_wait3A_22] : memref<64000x32xf32, #tpu.memory_space<hbm>> -> memref<1000x32xf32, #tpu.memory_space<hbm>>
      tpu.wait_dma2 semaphore(%run_scoped3A_17 : memref<!tpu.dma_semaphore, #tpu.memory_space<semaphore_mem>>) src(%dma_wait3A_23 : memref<1000x32xf32, #tpu.memory_space<hbm>>) dst(%arg10 : memref<1000x32xf32, #tpu.memory_space<vmem>>)
      tpu.yield
    }) : () -> ()
    "tpu.region"() ({
      %run_scoped3A_17 = tpu.sem_alloc : memref<!tpu.dma_semaphore, #tpu.memory_space<semaphore_mem>>
      %dma_start3A = arith.constant 0 : i32
      %dma_start3A_18 = arith.constant 0 : i32
      %dma_start3A_19 = tpu.memref_slice %arg12[%dma_start3A, %dma_start3A_18] : memref<10000x32xf32, #tpu.memory_space<vmem_shared>> -> memref<10000x32xf32, #tpu.memory_space<vmem_shared>>
      tpu.enqueue_indirect_dma source(%arg10 : memref<1000x32xf32, #tpu.memory_space<vmem>>) target(%dma_start3A_19 : memref<10000x32xf32, #tpu.memory_space<vmem_shared>>) offsets(%arg9 : memref<1000xi32, #tpu.memory_space<vmem>>) semaphore(%run_scoped3A_17 : memref<!tpu.dma_semaphore, #tpu.memory_space<semaphore_mem>>) {add = true}
      %dma_wait3A = arith.constant 0 : i32
      %dma_wait3A_20 = arith.constant 0 : i32
      %dma_wait3A_21 = tpu.memref_slice %arg12[%dma_wait3A, %dma_wait3A_20] : memref<10000x32xf32, #tpu.memory_space<vmem_shared>> -> memref<10000x32xf32, #tpu.memory_space<vmem_shared>>
      tpu.wait_indirect_dma semaphore(%run_scoped3A_17 : memref<!tpu.dma_semaphore, #tpu.memory_space<semaphore_mem>>) src(%arg10 : memref<1000x32xf32, #tpu.memory_space<vmem>>) dst(%dma_wait3A_21 : memref<10000x32xf32, #tpu.memory_space<vmem_shared>>)
      tpu.yield
    }) : () -> ()
    "tpu.region"() ({
      %run_scoped3A_17 = tpu.sem_alloc : memref<!tpu.dma_semaphore, #tpu.memory_space<semaphore_mem>>
      %dma_start3A = arith.constant 0 : i32
      %dma_start3A_18 = arith.constant 0 : i32
      %dma_start3A_19 = tpu.memref_slice %arg13[%dma_start3A, %dma_start3A_18] : memref<10000x16xf32, #tpu.memory_space<vmem_shared>> -> memref<10000x16xf32, #tpu.memory_space<vmem_shared>>
      tpu.enqueue_indirect_dma source(%arg11 : memref<1000x16xf32, #tpu.memory_space<vmem>>) target(%dma_start3A_19 : memref<10000x16xf32, #tpu.memory_space<vmem_shared>>) offsets(%arg9 : memref<1000xi32, #tpu.memory_space<vmem>>) semaphore(%run_scoped3A_17 : memref<!tpu.dma_semaphore, #tpu.memory_space<semaphore_mem>>) {add = true}
      %dma_wait3A = arith.constant 0 : i32
      %dma_wait3A_20 = arith.constant 0 : i32
      %dma_wait3A_21 = tpu.memref_slice %arg13[%dma_wait3A, %dma_wait3A_20] : memref<10000x16xf32, #tpu.memory_space<vmem_shared>> -> memref<10000x16xf32, #tpu.memory_space<vmem_shared>>
      tpu.wait_indirect_dma semaphore(%run_scoped3A_17 : memref<!tpu.dma_semaphore, #tpu.memory_space<semaphore_mem>>) src(%arg11 : memref<1000x16xf32, #tpu.memory_space<vmem>>) dst(%dma_wait3A_21 : memref<10000x16xf32, #tpu.memory_space<vmem_shared>>)
      tpu.yield
    }) : () -> ()
    %mul3A_9 = arith.constant 2000 : i32
    %mul3A_10 = arith.muli %add3A, %mul3A_9 : i32
    %add3A_11 = arith.constant 1000 : i32
    %add3A_12 = arith.addi %mul3A_10, %add3A_11 : i32
    %add3A_13 = arith.constant 96000 : i32
    %add3A_14 = arith.addi %add3A_13, %add3A_12 : i32
    %run_scoped3A_15 = arith.constant 0 : i32
    "tpu.region"() ({
      %run_scoped3A_17 = tpu.sem_alloc : memref<!tpu.dma_semaphore, #tpu.memory_space<semaphore_mem>>
      %dma_start3A = tpu.memref_slice %arg3[%run_scoped3A_15, %add3A_14] : memref<2x160000xi32, #tpu.memory_space<hbm>> -> memref<1x1000xi32, #tpu.memory_space<hbm>>
      %dma_start3A_18 = tpu.memref_squeeze %dma_start3A : memref<1x1000xi32, #tpu.memory_space<hbm>> -> memref<1000xi32, #tpu.memory_space<hbm>>
      %dma_start3A_19 = tpu.memref_slice %arg3[%run_scoped3A_15, %add3A_14] : memref<2x160000xi32, #tpu.memory_space<hbm>> -> memref<1x1000xi32, #tpu.memory_space<hbm>>
      %dma_start3A_20 = tpu.memref_squeeze %dma_start3A_19 : memref<1x1000xi32, #tpu.memory_space<hbm>> -> memref<1000xi32, #tpu.memory_space<hbm>>
      tpu.enqueue_dma source(%dma_start3A_20 : memref<1000xi32, #tpu.memory_space<hbm>>) target(%arg9 : memref<1000xi32, #tpu.memory_space<vmem>>) target_semaphore(%run_scoped3A_17 : memref<!tpu.dma_semaphore, #tpu.memory_space<semaphore_mem>>)
      %dma_wait3A = tpu.memref_slice %arg3[%run_scoped3A_15, %add3A_14] : memref<2x160000xi32, #tpu.memory_space<hbm>> -> memref<1x1000xi32, #tpu.memory_space<hbm>>
      %dma_wait3A_21 = tpu.memref_squeeze %dma_wait3A : memref<1x1000xi32, #tpu.memory_space<hbm>> -> memref<1000xi32, #tpu.memory_space<hbm>>
      %dma_wait3A_22 = tpu.memref_slice %arg3[%run_scoped3A_15, %add3A_14] : memref<2x160000xi32, #tpu.memory_space<hbm>> -> memref<1x1000xi32, #tpu.memory_space<hbm>>
      %dma_wait3A_23 = tpu.memref_squeeze %dma_wait3A_22 : memref<1x1000xi32, #tpu.memory_space<hbm>> -> memref<1000xi32, #tpu.memory_space<hbm>>
      tpu.wait_dma2 semaphore(%run_scoped3A_17 : memref<!tpu.dma_semaphore, #tpu.memory_space<semaphore_mem>>) src(%dma_wait3A_23 : memref<1000xi32, #tpu.memory_space<hbm>>) dst(%arg9 : memref<1000xi32, #tpu.memory_space<vmem>>)
      tpu.yield
    }) : () -> ()
    "tpu.region"() ({
      %run_scoped3A_17 = tpu.sem_alloc : memref<!tpu.dma_semaphore, #tpu.memory_space<semaphore_mem>>
      %dma_start3A = arith.constant 0 : i32
      %dma_start3A_18 = tpu.memref_slice %arg2[%add3A_12, %dma_start3A] : memref<64000x32xf32, #tpu.memory_space<hbm>> -> memref<1000x32xf32, #tpu.memory_space<hbm>>
      %dma_start3A_19 = arith.constant 0 : i32
      %dma_start3A_20 = tpu.memref_slice %arg2[%add3A_12, %dma_start3A_19] : memref<64000x32xf32, #tpu.memory_space<hbm>> -> memref<1000x32xf32, #tpu.memory_space<hbm>>
      tpu.enqueue_dma source(%dma_start3A_20 : memref<1000x32xf32, #tpu.memory_space<hbm>>) target(%arg10 : memref<1000x32xf32, #tpu.memory_space<vmem>>) target_semaphore(%run_scoped3A_17 : memref<!tpu.dma_semaphore, #tpu.memory_space<semaphore_mem>>)
      %dma_wait3A = arith.constant 0 : i32
      %dma_wait3A_21 = tpu.memref_slice %arg2[%add3A_12, %dma_wait3A] : memref<64000x32xf32, #tpu.memory_space<hbm>> -> memref<1000x32xf32, #tpu.memory_space<hbm>>
      %dma_wait3A_22 = arith.constant 0 : i32
      %dma_wait3A_23 = tpu.memref_slice %arg2[%add3A_12, %dma_wait3A_22] : memref<64000x32xf32, #tpu.memory_space<hbm>> -> memref<1000x32xf32, #tpu.memory_space<hbm>>
      tpu.wait_dma2 semaphore(%run_scoped3A_17 : memref<!tpu.dma_semaphore, #tpu.memory_space<semaphore_mem>>) src(%dma_wait3A_23 : memref<1000x32xf32, #tpu.memory_space<hbm>>) dst(%arg10 : memref<1000x32xf32, #tpu.memory_space<vmem>>)
      tpu.yield
    }) : () -> ()
    "tpu.region"() ({
      %run_scoped3A_17 = tpu.sem_alloc : memref<!tpu.dma_semaphore, #tpu.memory_space<semaphore_mem>>
      %dma_start3A = arith.constant 0 : i32
      %dma_start3A_18 = arith.constant 0 : i32
      %dma_start3A_19 = tpu.memref_slice %arg12[%dma_start3A, %dma_start3A_18] : memref<10000x32xf32, #tpu.memory_space<vmem_shared>> -> memref<10000x32xf32, #tpu.memory_space<vmem_shared>>
      tpu.enqueue_indirect_dma source(%arg10 : memref<1000x32xf32, #tpu.memory_space<vmem>>) target(%dma_start3A_19 : memref<10000x32xf32, #tpu.memory_space<vmem_shared>>) offsets(%arg9 : memref<1000xi32, #tpu.memory_space<vmem>>) semaphore(%run_scoped3A_17 : memref<!tpu.dma_semaphore, #tpu.memory_space<semaphore_mem>>) {add = true}
      %dma_wait3A = arith.constant 0 : i32
      %dma_wait3A_20 = arith.constant 0 : i32
      %dma_wait3A_21 = tpu.memref_slice %arg12[%dma_wait3A, %dma_wait3A_20] : memref<10000x32xf32, #tpu.memory_space<vmem_shared>> -> memref<10000x32xf32, #tpu.memory_space<vmem_shared>>
      tpu.wait_indirect_dma semaphore(%run_scoped3A_17 : memref<!tpu.dma_semaphore, #tpu.memory_space<semaphore_mem>>) src(%arg10 : memref<1000x32xf32, #tpu.memory_space<vmem>>) dst(%dma_wait3A_21 : memref<10000x32xf32, #tpu.memory_space<vmem_shared>>)
      tpu.yield
    }) : () -> ()
    "tpu.region"() ({
      %run_scoped3A_17 = tpu.sem_alloc : memref<!tpu.dma_semaphore, #tpu.memory_space<semaphore_mem>>
      %dma_start3A = arith.constant 0 : i32
      %dma_start3A_18 = arith.constant 0 : i32
      %dma_start3A_19 = tpu.memref_slice %arg13[%dma_start3A, %dma_start3A_18] : memref<10000x16xf32, #tpu.memory_space<vmem_shared>> -> memref<10000x16xf32, #tpu.memory_space<vmem_shared>>
      tpu.enqueue_indirect_dma source(%arg11 : memref<1000x16xf32, #tpu.memory_space<vmem>>) target(%dma_start3A_19 : memref<10000x16xf32, #tpu.memory_space<vmem_shared>>) offsets(%arg9 : memref<1000xi32, #tpu.memory_space<vmem>>) semaphore(%run_scoped3A_17 : memref<!tpu.dma_semaphore, #tpu.memory_space<semaphore_mem>>) {add = true}
      %dma_wait3A = arith.constant 0 : i32
      %dma_wait3A_20 = arith.constant 0 : i32
      %dma_wait3A_21 = tpu.memref_slice %arg13[%dma_wait3A, %dma_wait3A_20] : memref<10000x16xf32, #tpu.memory_space<vmem_shared>> -> memref<10000x16xf32, #tpu.memory_space<vmem_shared>>
      tpu.wait_indirect_dma semaphore(%run_scoped3A_17 : memref<!tpu.dma_semaphore, #tpu.memory_space<semaphore_mem>>) src(%arg11 : memref<1000x16xf32, #tpu.memory_space<vmem>>) dst(%dma_wait3A_21 : memref<10000x16xf32, #tpu.memory_space<vmem_shared>>)
      tpu.yield
    }) : () -> ()
    %barrier3A_16 = arith.constant 0 : index
    tpu.barrier barrier_id(%barrier3A_16)
    "tpu.region"() ({
      %run_scoped3A_17 = tpu.sem_alloc : memref<!tpu.dma_semaphore, #tpu.memory_space<semaphore_mem>>
      %dma_start3A = arith.constant 0 : i32
      %dma_start3A_18 = tpu.memref_slice %arg7[%arg0, %mul3A_0, %dma_start3A] : memref<2x10000x32xf32, #tpu.memory_space<hbm>> -> memref<1x625x32xf32, #tpu.memory_space<hbm>>
      %dma_start3A_19 = tpu.memref_squeeze %dma_start3A_18 : memref<1x625x32xf32, #tpu.memory_space<hbm>> -> memref<625x32xf32, #tpu.memory_space<hbm>>
      %dma_start3A_20 = arith.constant 0 : i32
      %dma_start3A_21 = tpu.memref_slice %arg12[%mul3A_0, %dma_start3A_20] : memref<10000x32xf32, #tpu.memory_space<vmem_shared>> -> memref<625x32xf32, #tpu.memory_space<vmem_shared>>
      tpu.enqueue_dma source(%dma_start3A_21 : memref<625x32xf32, #tpu.memory_space<vmem_shared>>) target(%dma_start3A_19 : memref<625x32xf32, #tpu.memory_space<hbm>>) target_semaphore(%run_scoped3A_17 : memref<!tpu.dma_semaphore, #tpu.memory_space<semaphore_mem>>)
      %dma_wait3A = arith.constant 0 : i32
      %dma_wait3A_22 = tpu.memref_slice %arg7[%arg0, %mul3A_0, %dma_wait3A] : memref<2x10000x32xf32, #tpu.memory_space<hbm>> -> memref<1x625x32xf32, #tpu.memory_space<hbm>>
      %dma_wait3A_23 = tpu.memref_squeeze %dma_wait3A_22 : memref<1x625x32xf32, #tpu.memory_space<hbm>> -> memref<625x32xf32, #tpu.memory_space<hbm>>
      %dma_wait3A_24 = arith.constant 0 : i32
      %dma_wait3A_25 = tpu.memref_slice %arg12[%mul3A_0, %dma_wait3A_24] : memref<10000x32xf32, #tpu.memory_space<vmem_shared>> -> memref<625x32xf32, #tpu.memory_space<vmem_shared>>
      tpu.wait_dma2 semaphore(%run_scoped3A_17 : memref<!tpu.dma_semaphore, #tpu.memory_space<semaphore_mem>>) src(%dma_wait3A_25 : memref<625x32xf32, #tpu.memory_space<vmem_shared>>) dst(%dma_wait3A_23 : memref<625x32xf32, #tpu.memory_space<hbm>>)
      tpu.yield
    }) : () -> ()
    "tpu.region"() ({
      %run_scoped3A_17 = tpu.sem_alloc : memref<!tpu.dma_semaphore, #tpu.memory_space<semaphore_mem>>
      %dma_start3A = arith.constant 0 : i32
      %dma_start3A_18 = tpu.memref_slice %arg8[%arg0, %mul3A_0, %dma_start3A] : memref<2x10000x16xf32, #tpu.memory_space<hbm>> -> memref<1x625x16xf32, #tpu.memory_space<hbm>>
      %dma_start3A_19 = tpu.memref_squeeze %dma_start3A_18 : memref<1x625x16xf32, #tpu.memory_space<hbm>> -> memref<625x16xf32, #tpu.memory_space<hbm>>
      %dma_start3A_20 = arith.constant 0 : i32
      %dma_start3A_21 = tpu.memref_slice %arg13[%mul3A_0, %dma_start3A_20] : memref<10000x16xf32, #tpu.memory_space<vmem_shared>> -> memref<625x16xf32, #tpu.memory_space<vmem_shared>>
      tpu.enqueue_dma source(%dma_start3A_21 : memref<625x16xf32, #tpu.memory_space<vmem_shared>>) target(%dma_start3A_19 : memref<625x16xf32, #tpu.memory_space<hbm>>) target_semaphore(%run_scoped3A_17 : memref<!tpu.dma_semaphore, #tpu.memory_space<semaphore_mem>>)
      %dma_wait3A = arith.constant 0 : i32
      %dma_wait3A_22 = tpu.memref_slice %arg8[%arg0, %mul3A_0, %dma_wait3A] : memref<2x10000x16xf32, #tpu.memory_space<hbm>> -> memref<1x625x16xf32, #tpu.memory_space<hbm>>
      %dma_wait3A_23 = tpu.memref_squeeze %dma_wait3A_22 : memref<1x625x16xf32, #tpu.memory_space<hbm>> -> memref<625x16xf32, #tpu.memory_space<hbm>>
      %dma_wait3A_24 = arith.constant 0 : i32
      %dma_wait3A_25 = tpu.memref_slice %arg13[%mul3A_0, %dma_wait3A_24] : memref<10000x16xf32, #tpu.memory_space<vmem_shared>> -> memref<625x16xf32, #tpu.memory_space<vmem_shared>>
      tpu.wait_dma2 semaphore(%run_scoped3A_17 : memref<!tpu.dma_semaphore, #tpu.memory_space<semaphore_mem>>) src(%dma_wait3A_25 : memref<625x16xf32, #tpu.memory_space<vmem_shared>>) dst(%dma_wait3A_23 : memref<625x16xf32, #tpu.memory_space<hbm>>)
      tpu.yield
    }) : () -> ()
    return
  }
}

module attributes {stable_mosaic.version = 14 : i64} {
  func.func @_dense_body(%arg0: i32, %arg1: memref<16x6400xf32, #tpu.memory_space<vmem>>, %arg2: memref<32x6400xf32, #tpu.memory_space<vmem>>, %arg3: memref<1x6400xf32, #tpu.memory_space<vmem>>, %arg4: memref<16x16xf32, #tpu.memory_space<vmem>>, %arg5: memref<16x1xf32, #tpu.memory_space<vmem>>, %arg6: memref<512x32xbf16, #tpu.memory_space<vmem>>, %arg7: memref<32x32xf32, #tpu.memory_space<vmem>>, %arg8: memref<32x6400xf32, #tpu.memory_space<vmem>>) attributes {dimension_semantics = [#tpu.dimension_semantics<arbitrary>], iteration_bounds = array<i64: 15>, scalar_prefetch = 0 : i64, scratch_operands = 0 : i64, tpu.core_type = #tpu.core_type<tc>, window_params = [{transform_indices = @transform_0, window_bounds = array<i64: 16, 6400>}, {transform_indices = @transform_1, window_bounds = array<i64: 32, 6400>}, {transform_indices = @transform_2, window_bounds = array<i64: 1, 6400>}, {pipeline_mode = #tpu.pipeline_mode<synchronous>, transform_indices = @transform_3, window_bounds = array<i64: 16, 16>}, {pipeline_mode = #tpu.pipeline_mode<synchronous>, transform_indices = @transform_4, window_bounds = array<i64: 16, 1>}, {pipeline_mode = #tpu.pipeline_mode<synchronous>, transform_indices = @transform_5, window_bounds = array<i64: 512, 32>}, {pipeline_mode = #tpu.pipeline_mode<synchronous>, transform_indices = @transform_6, window_bounds = array<i64: 32, 32>}, {transform_indices = @transform_7, window_bounds = array<i64: 32, 6400>}]} {
    %get3A = arith.constant 0 : index
    %get3A_0 = arith.constant 0 : index
    %get3A_1 = vector.load %arg4[%get3A, %get3A_0] : memref<16x16xf32, #tpu.memory_space<vmem>>, vector<16x16xf32>
    %get3A_2 = arith.constant 0 : index
    %get3A_3 = arith.constant 0 : index
    %get3A_4 = vector.load %arg1[%get3A_2, %get3A_3] : memref<16x6400xf32, #tpu.memory_space<vmem>>, vector<16x6400xf32>
    %dot_general3A = arith.constant dense<0.000000e+00> : vector<16x6400xf32>
    %dot_general3A_5 = tpu.matmul %get3A_1, %get3A_4, %dot_general3A {dimension_numbers = #tpu.dot_dimension_numbers<[1], [0], [0], [1], [0, 0, 1, 1], [], []>, transpose_lhs_hint = false} : vector<16x16xf32>, vector<16x6400xf32>, vector<16x6400xf32> -> vector<16x6400xf32>
    %get3A_6 = arith.constant 0 : index
    %get3A_7 = arith.constant 0 : index
    %get3A_8 = vector.load %arg5[%get3A_6, %get3A_7] : memref<16x1xf32, #tpu.memory_space<vmem>>, vector<16x1xf32>
    %add3A = vector.broadcast %get3A_8 : vector<16x1xf32> to vector<16x6400xf32>
    %add3A_9 = arith.addf %dot_general3A_5, %add3A : vector<16x6400xf32>
    %max3A = arith.constant 0.000000e+00 : f32
    %max3A_10 = vector.broadcast %max3A : f32 to vector<16x6400xf32>
    %max3A_11 = arith.maximumf %add3A_9, %max3A_10 : vector<16x6400xf32>
    %get3A_12 = arith.constant 0 : index
    %get3A_13 = arith.constant 0 : index
    %get3A_14 = vector.load %arg3[%get3A_12, %get3A_13] : memref<1x6400xf32, #tpu.memory_space<vmem>>, vector<1x6400xf32>
    %get3A_15 = arith.constant 0 : index
    %get3A_16 = arith.constant 0 : index
    %get3A_17 = vector.load %arg2[%get3A_15, %get3A_16] : memref<32x6400xf32, #tpu.memory_space<vmem>>, vector<32x6400xf32>
    %mul3A = vector.broadcast %get3A_14 : vector<1x6400xf32> to vector<32x6400xf32>
    %mul3A_18 = arith.mulf %mul3A, %get3A_17 : vector<32x6400xf32>
    %get3A_19 = arith.constant 0 : index
    %get3A_20 = arith.constant 0 : index
    %get3A_21 = vector.load %arg6[%get3A_19, %get3A_20] : memref<512x32xbf16, #tpu.memory_space<vmem>>, vector<512x32xbf16>
    %convert_element_type3A = arith.truncf %mul3A_18 : vector<32x6400xf32> to vector<32x6400xbf16>
    %dot_general3A_22 = arith.constant dense<0.000000e+00> : vector<512x6400xf32>
    %dot_general3A_23 = tpu.matmul %get3A_21, %convert_element_type3A, %dot_general3A_22 {dimension_numbers = #tpu.dot_dimension_numbers<[1], [0], [0], [1], [0, 0, 1, 1], [], []>, transpose_lhs_hint = false} : vector<512x32xbf16>, vector<32x6400xbf16>, vector<512x6400xf32> -> vector<512x6400xf32>
    %get3A_24 = arith.constant 0 : index
    %get3A_25 = arith.constant 0 : index
    %get3A_26 = vector.load %arg7[%get3A_24, %get3A_25] : memref<32x32xf32, #tpu.memory_space<vmem>>, vector<32x32xf32>
    %dot_general3A_27 = arith.constant dense<0.000000e+00> : vector<32x6400xf32>
    %dot_general3A_28 = tpu.matmul %get3A_26, %mul3A_18, %dot_general3A_27 {dimension_numbers = #tpu.dot_dimension_numbers<[1], [0], [0], [1], [0, 0, 1, 1], [], []>, transpose_lhs_hint = false} : vector<32x32xf32>, vector<32x6400xf32>, vector<32x6400xf32> -> vector<32x6400xf32>
    %slice3A = vector.extract_strided_slice %dot_general3A_23 {offsets = [0, 0], sizes = [32, 6400], strides = [1, 1]} : vector<512x6400xf32> to vector<32x6400xf32>
    %slice3A_29 = vector.extract_strided_slice %max3A_11 {offsets = [0, 0], sizes = [1, 6400], strides = [1, 1]} : vector<16x6400xf32> to vector<1x6400xf32>
    %mul3A_30 = vector.broadcast %slice3A_29 : vector<1x6400xf32> to vector<32x6400xf32>
    %mul3A_31 = arith.mulf %slice3A, %mul3A_30 : vector<32x6400xf32>
    %add3A_32 = arith.addf %dot_general3A_28, %mul3A_31 : vector<32x6400xf32>
    %slice3A_33 = vector.extract_strided_slice %dot_general3A_23 {offsets = [32, 0], sizes = [32, 6400], strides = [1, 1]} : vector<512x6400xf32> to vector<32x6400xf32>
    %slice3A_34 = vector.extract_strided_slice %max3A_11 {offsets = [1, 0], sizes = [1, 6400], strides = [1, 1]} : vector<16x6400xf32> to vector<1x6400xf32>
    %mul3A_35 = vector.broadcast %slice3A_34 : vector<1x6400xf32> to vector<32x6400xf32>
    %mul3A_36 = arith.mulf %slice3A_33, %mul3A_35 : vector<32x6400xf32>
    %add3A_37 = arith.addf %add3A_32, %mul3A_36 : vector<32x6400xf32>
    %slice3A_38 = vector.extract_strided_slice %dot_general3A_23 {offsets = [64, 0], sizes = [32, 6400], strides = [1, 1]} : vector<512x6400xf32> to vector<32x6400xf32>
    %slice3A_39 = vector.extract_strided_slice %max3A_11 {offsets = [2, 0], sizes = [1, 6400], strides = [1, 1]} : vector<16x6400xf32> to vector<1x6400xf32>
    %mul3A_40 = vector.broadcast %slice3A_39 : vector<1x6400xf32> to vector<32x6400xf32>
    %mul3A_41 = arith.mulf %slice3A_38, %mul3A_40 : vector<32x6400xf32>
    %add3A_42 = arith.addf %add3A_37, %mul3A_41 : vector<32x6400xf32>
    %slice3A_43 = vector.extract_strided_slice %dot_general3A_23 {offsets = [96, 0], sizes = [32, 6400], strides = [1, 1]} : vector<512x6400xf32> to vector<32x6400xf32>
    %slice3A_44 = vector.extract_strided_slice %max3A_11 {offsets = [3, 0], sizes = [1, 6400], strides = [1, 1]} : vector<16x6400xf32> to vector<1x6400xf32>
    %mul3A_45 = vector.broadcast %slice3A_44 : vector<1x6400xf32> to vector<32x6400xf32>
    %mul3A_46 = arith.mulf %slice3A_43, %mul3A_45 : vector<32x6400xf32>
    %add3A_47 = arith.addf %add3A_42, %mul3A_46 : vector<32x6400xf32>
    %slice3A_48 = vector.extract_strided_slice %dot_general3A_23 {offsets = [128, 0], sizes = [32, 6400], strides = [1, 1]} : vector<512x6400xf32> to vector<32x6400xf32>
    %slice3A_49 = vector.extract_strided_slice %max3A_11 {offsets = [4, 0], sizes = [1, 6400], strides = [1, 1]} : vector<16x6400xf32> to vector<1x6400xf32>
    %mul3A_50 = vector.broadcast %slice3A_49 : vector<1x6400xf32> to vector<32x6400xf32>
    %mul3A_51 = arith.mulf %slice3A_48, %mul3A_50 : vector<32x6400xf32>
    %add3A_52 = arith.addf %add3A_47, %mul3A_51 : vector<32x6400xf32>
    %slice3A_53 = vector.extract_strided_slice %dot_general3A_23 {offsets = [160, 0], sizes = [32, 6400], strides = [1, 1]} : vector<512x6400xf32> to vector<32x6400xf32>
    %slice3A_54 = vector.extract_strided_slice %max3A_11 {offsets = [5, 0], sizes = [1, 6400], strides = [1, 1]} : vector<16x6400xf32> to vector<1x6400xf32>
    %mul3A_55 = vector.broadcast %slice3A_54 : vector<1x6400xf32> to vector<32x6400xf32>
    %mul3A_56 = arith.mulf %slice3A_53, %mul3A_55 : vector<32x6400xf32>
    %add3A_57 = arith.addf %add3A_52, %mul3A_56 : vector<32x6400xf32>
    %slice3A_58 = vector.extract_strided_slice %dot_general3A_23 {offsets = [192, 0], sizes = [32, 6400], strides = [1, 1]} : vector<512x6400xf32> to vector<32x6400xf32>
    %slice3A_59 = vector.extract_strided_slice %max3A_11 {offsets = [6, 0], sizes = [1, 6400], strides = [1, 1]} : vector<16x6400xf32> to vector<1x6400xf32>
    %mul3A_60 = vector.broadcast %slice3A_59 : vector<1x6400xf32> to vector<32x6400xf32>
    %mul3A_61 = arith.mulf %slice3A_58, %mul3A_60 : vector<32x6400xf32>
    %add3A_62 = arith.addf %add3A_57, %mul3A_61 : vector<32x6400xf32>
    %slice3A_63 = vector.extract_strided_slice %dot_general3A_23 {offsets = [224, 0], sizes = [32, 6400], strides = [1, 1]} : vector<512x6400xf32> to vector<32x6400xf32>
    %slice3A_64 = vector.extract_strided_slice %max3A_11 {offsets = [7, 0], sizes = [1, 6400], strides = [1, 1]} : vector<16x6400xf32> to vector<1x6400xf32>
    %mul3A_65 = vector.broadcast %slice3A_64 : vector<1x6400xf32> to vector<32x6400xf32>
    %mul3A_66 = arith.mulf %slice3A_63, %mul3A_65 : vector<32x6400xf32>
    %add3A_67 = arith.addf %add3A_62, %mul3A_66 : vector<32x6400xf32>
    %slice3A_68 = vector.extract_strided_slice %dot_general3A_23 {offsets = [256, 0], sizes = [32, 6400], strides = [1, 1]} : vector<512x6400xf32> to vector<32x6400xf32>
    %slice3A_69 = vector.extract_strided_slice %max3A_11 {offsets = [8, 0], sizes = [1, 6400], strides = [1, 1]} : vector<16x6400xf32> to vector<1x6400xf32>
    %mul3A_70 = vector.broadcast %slice3A_69 : vector<1x6400xf32> to vector<32x6400xf32>
    %mul3A_71 = arith.mulf %slice3A_68, %mul3A_70 : vector<32x6400xf32>
    %add3A_72 = arith.addf %add3A_67, %mul3A_71 : vector<32x6400xf32>
    %slice3A_73 = vector.extract_strided_slice %dot_general3A_23 {offsets = [288, 0], sizes = [32, 6400], strides = [1, 1]} : vector<512x6400xf32> to vector<32x6400xf32>
    %slice3A_74 = vector.extract_strided_slice %max3A_11 {offsets = [9, 0], sizes = [1, 6400], strides = [1, 1]} : vector<16x6400xf32> to vector<1x6400xf32>
    %mul3A_75 = vector.broadcast %slice3A_74 : vector<1x6400xf32> to vector<32x6400xf32>
    %mul3A_76 = arith.mulf %slice3A_73, %mul3A_75 : vector<32x6400xf32>
    %add3A_77 = arith.addf %add3A_72, %mul3A_76 : vector<32x6400xf32>
    %slice3A_78 = vector.extract_strided_slice %dot_general3A_23 {offsets = [320, 0], sizes = [32, 6400], strides = [1, 1]} : vector<512x6400xf32> to vector<32x6400xf32>
    %slice3A_79 = vector.extract_strided_slice %max3A_11 {offsets = [10, 0], sizes = [1, 6400], strides = [1, 1]} : vector<16x6400xf32> to vector<1x6400xf32>
    %mul3A_80 = vector.broadcast %slice3A_79 : vector<1x6400xf32> to vector<32x6400xf32>
    %mul3A_81 = arith.mulf %slice3A_78, %mul3A_80 : vector<32x6400xf32>
    %add3A_82 = arith.addf %add3A_77, %mul3A_81 : vector<32x6400xf32>
    %slice3A_83 = vector.extract_strided_slice %dot_general3A_23 {offsets = [352, 0], sizes = [32, 6400], strides = [1, 1]} : vector<512x6400xf32> to vector<32x6400xf32>
    %slice3A_84 = vector.extract_strided_slice %max3A_11 {offsets = [11, 0], sizes = [1, 6400], strides = [1, 1]} : vector<16x6400xf32> to vector<1x6400xf32>
    %mul3A_85 = vector.broadcast %slice3A_84 : vector<1x6400xf32> to vector<32x6400xf32>
    %mul3A_86 = arith.mulf %slice3A_83, %mul3A_85 : vector<32x6400xf32>
    %add3A_87 = arith.addf %add3A_82, %mul3A_86 : vector<32x6400xf32>
    %slice3A_88 = vector.extract_strided_slice %dot_general3A_23 {offsets = [384, 0], sizes = [32, 6400], strides = [1, 1]} : vector<512x6400xf32> to vector<32x6400xf32>
    %slice3A_89 = vector.extract_strided_slice %max3A_11 {offsets = [12, 0], sizes = [1, 6400], strides = [1, 1]} : vector<16x6400xf32> to vector<1x6400xf32>
    %mul3A_90 = vector.broadcast %slice3A_89 : vector<1x6400xf32> to vector<32x6400xf32>
    %mul3A_91 = arith.mulf %slice3A_88, %mul3A_90 : vector<32x6400xf32>
    %add3A_92 = arith.addf %add3A_87, %mul3A_91 : vector<32x6400xf32>
    %slice3A_93 = vector.extract_strided_slice %dot_general3A_23 {offsets = [416, 0], sizes = [32, 6400], strides = [1, 1]} : vector<512x6400xf32> to vector<32x6400xf32>
    %slice3A_94 = vector.extract_strided_slice %max3A_11 {offsets = [13, 0], sizes = [1, 6400], strides = [1, 1]} : vector<16x6400xf32> to vector<1x6400xf32>
    %mul3A_95 = vector.broadcast %slice3A_94 : vector<1x6400xf32> to vector<32x6400xf32>
    %mul3A_96 = arith.mulf %slice3A_93, %mul3A_95 : vector<32x6400xf32>
    %add3A_97 = arith.addf %add3A_92, %mul3A_96 : vector<32x6400xf32>
    %slice3A_98 = vector.extract_strided_slice %dot_general3A_23 {offsets = [448, 0], sizes = [32, 6400], strides = [1, 1]} : vector<512x6400xf32> to vector<32x6400xf32>
    %slice3A_99 = vector.extract_strided_slice %max3A_11 {offsets = [14, 0], sizes = [1, 6400], strides = [1, 1]} : vector<16x6400xf32> to vector<1x6400xf32>
    %mul3A_100 = vector.broadcast %slice3A_99 : vector<1x6400xf32> to vector<32x6400xf32>
    %mul3A_101 = arith.mulf %slice3A_98, %mul3A_100 : vector<32x6400xf32>
    %add3A_102 = arith.addf %add3A_97, %mul3A_101 : vector<32x6400xf32>
    %slice3A_103 = vector.extract_strided_slice %dot_general3A_23 {offsets = [480, 0], sizes = [32, 6400], strides = [1, 1]} : vector<512x6400xf32> to vector<32x6400xf32>
    %slice3A_104 = vector.extract_strided_slice %max3A_11 {offsets = [15, 0], sizes = [1, 6400], strides = [1, 1]} : vector<16x6400xf32> to vector<1x6400xf32>
    %mul3A_105 = vector.broadcast %slice3A_104 : vector<1x6400xf32> to vector<32x6400xf32>
    %mul3A_106 = arith.mulf %slice3A_103, %mul3A_105 : vector<32x6400xf32>
    %add3A_107 = arith.addf %add3A_102, %mul3A_106 : vector<32x6400xf32>
    %swap3A = arith.constant 0 : index
    %swap3A_108 = arith.constant 0 : index
    %swap3A_109 = vector.load %arg8[%swap3A, %swap3A_108] : memref<32x6400xf32, #tpu.memory_space<vmem>>, vector<32x6400xf32>
    tpu.vector_store %arg8[%swap3A, %swap3A_108], %add3A_107 {strides = array<i32>} : memref<32x6400xf32, #tpu.memory_space<vmem>>, vector<32x6400xf32>,
    return
  }
  func.func @transform_0(%arg0: i32) -> (i32, i32) {
    %add3A = arith.constant 0 : i32
    %add3A_0 = arith.addi %arg0, %add3A : i32
    %c0_i32 = arith.constant 0 : i32
    %c0_i32_1 = arith.constant 0 : i32
    return %c0_i32, %add3A_0 : i32, i32
  }
  func.func @transform_1(%arg0: i32) -> (i32, i32) {
    %c0_i32 = arith.constant 0 : i32
    %c0_i32_0 = arith.constant 0 : i32
    return %c0_i32, %arg0 : i32, i32
  }
  func.func @transform_2(%arg0: i32) -> (i32, i32) {
    %add3A = arith.constant 0 : i32
    %add3A_0 = arith.addi %arg0, %add3A : i32
    %c0_i32 = arith.constant 0 : i32
    %c0_i32_1 = arith.constant 0 : i32
    return %c0_i32, %add3A_0 : i32, i32
  }
  func.func @transform_3(%arg0: i32) -> (i32, i32) {
    %c0_i32 = arith.constant 0 : i32
    %c0_i32_0 = arith.constant 0 : i32
    %c0_i32_1 = arith.constant 0 : i32
    return %c0_i32, %c0_i32_0 : i32, i32
  }
  func.func @transform_4(%arg0: i32) -> (i32, i32) {
    %c0_i32 = arith.constant 0 : i32
    %c0_i32_0 = arith.constant 0 : i32
    %c0_i32_1 = arith.constant 0 : i32
    return %c0_i32, %c0_i32_0 : i32, i32
  }
  func.func @transform_5(%arg0: i32) -> (i32, i32) {
    %c0_i32 = arith.constant 0 : i32
    %c0_i32_0 = arith.constant 0 : i32
    %c0_i32_1 = arith.constant 0 : i32
    return %c0_i32, %c0_i32_0 : i32, i32
  }
  func.func @transform_6(%arg0: i32) -> (i32, i32) {
    %c0_i32 = arith.constant 0 : i32
    %c0_i32_0 = arith.constant 0 : i32
    %c0_i32_1 = arith.constant 0 : i32
    return %c0_i32, %c0_i32_0 : i32, i32
  }
  func.func @transform_7(%arg0: i32) -> (i32, i32) {
    %c0_i32 = arith.constant 0 : i32
    %c0_i32_0 = arith.constant 0 : i32
    return %c0_i32, %arg0 : i32, i32
  }
}

module attributes {stable_mosaic.version = 14 : i64} {
  func.func @_dense_body(%arg0: i32, %arg1: memref<16x6400xf32, #tpu.memory_space<vmem>>, %arg2: memref<32x6400xf32, #tpu.memory_space<vmem>>, %arg3: memref<1x6400xf32, #tpu.memory_space<vmem>>, %arg4: memref<16x16xf32, #tpu.memory_space<vmem>>, %arg5: memref<16x1xf32, #tpu.memory_space<vmem>>, %arg6: memref<512x32xbf16, #tpu.memory_space<vmem>>, %arg7: memref<32x32xf32, #tpu.memory_space<vmem>>, %arg8: memref<32x6400xf32, #tpu.memory_space<vmem>>) attributes {dimension_semantics = [#tpu.dimension_semantics<arbitrary>], iteration_bounds = array<i64: 10>, scalar_prefetch = 0 : i64, scratch_operands = 0 : i64, tpu.core_type = #tpu.core_type<tc>, window_params = [{transform_indices = @transform_0, window_bounds = array<i64: 16, 6400>}, {transform_indices = @transform_1, window_bounds = array<i64: 32, 6400>}, {transform_indices = @transform_2, window_bounds = array<i64: 1, 6400>}, {pipeline_mode = #tpu.pipeline_mode<synchronous>, transform_indices = @transform_3, window_bounds = array<i64: 16, 16>}, {pipeline_mode = #tpu.pipeline_mode<synchronous>, transform_indices = @transform_4, window_bounds = array<i64: 16, 1>}, {pipeline_mode = #tpu.pipeline_mode<synchronous>, transform_indices = @transform_5, window_bounds = array<i64: 512, 32>}, {pipeline_mode = #tpu.pipeline_mode<synchronous>, transform_indices = @transform_6, window_bounds = array<i64: 32, 32>}, {transform_indices = @transform_7, window_bounds = array<i64: 32, 6400>}]} {
    %get3A = arith.constant 0 : index
    %get3A_0 = arith.constant 0 : index
    %get3A_1 = vector.load %arg4[%get3A, %get3A_0] : memref<16x16xf32, #tpu.memory_space<vmem>>, vector<16x16xf32>
    %get3A_2 = arith.constant 0 : index
    %get3A_3 = arith.constant 0 : index
    %get3A_4 = vector.load %arg1[%get3A_2, %get3A_3] : memref<16x6400xf32, #tpu.memory_space<vmem>>, vector<16x6400xf32>
    %dot_general3A = arith.constant dense<0.000000e+00> : vector<16x6400xf32>
    %dot_general3A_5 = tpu.matmul %get3A_1, %get3A_4, %dot_general3A {dimension_numbers = #tpu.dot_dimension_numbers<[1], [0], [0], [1], [0, 0, 1, 1], [], []>, transpose_lhs_hint = false} : vector<16x16xf32>, vector<16x6400xf32>, vector<16x6400xf32> -> vector<16x6400xf32>
    %get3A_6 = arith.constant 0 : index
    %get3A_7 = arith.constant 0 : index
    %get3A_8 = vector.load %arg5[%get3A_6, %get3A_7] : memref<16x1xf32, #tpu.memory_space<vmem>>, vector<16x1xf32>
    %add3A = vector.broadcast %get3A_8 : vector<16x1xf32> to vector<16x6400xf32>
    %add3A_9 = arith.addf %dot_general3A_5, %add3A : vector<16x6400xf32>
    %max3A = arith.constant 0.000000e+00 : f32
    %max3A_10 = vector.broadcast %max3A : f32 to vector<16x6400xf32>
    %max3A_11 = arith.maximumf %add3A_9, %max3A_10 : vector<16x6400xf32>
    %get3A_12 = arith.constant 0 : index
    %get3A_13 = arith.constant 0 : index
    %get3A_14 = vector.load %arg3[%get3A_12, %get3A_13] : memref<1x6400xf32, #tpu.memory_space<vmem>>, vector<1x6400xf32>
    %get3A_15 = arith.constant 0 : index
    %get3A_16 = arith.constant 0 : index
    %get3A_17 = vector.load %arg2[%get3A_15, %get3A_16] : memref<32x6400xf32, #tpu.memory_space<vmem>>, vector<32x6400xf32>
    %mul3A = vector.broadcast %get3A_14 : vector<1x6400xf32> to vector<32x6400xf32>
    %mul3A_18 = arith.mulf %mul3A, %get3A_17 : vector<32x6400xf32>
    %get3A_19 = arith.constant 0 : index
    %get3A_20 = arith.constant 0 : index
    %get3A_21 = vector.load %arg6[%get3A_19, %get3A_20] : memref<512x32xbf16, #tpu.memory_space<vmem>>, vector<512x32xbf16>
    %convert_element_type3A = arith.truncf %mul3A_18 : vector<32x6400xf32> to vector<32x6400xbf16>
    %dot_general3A_22 = arith.constant dense<0.000000e+00> : vector<512x6400xf32>
    %dot_general3A_23 = tpu.matmul %get3A_21, %convert_element_type3A, %dot_general3A_22 {dimension_numbers = #tpu.dot_dimension_numbers<[1], [0], [0], [1], [0, 0, 1, 1], [], []>, transpose_lhs_hint = false} : vector<512x32xbf16>, vector<32x6400xbf16>, vector<512x6400xf32> -> vector<512x6400xf32>
    %get3A_24 = arith.constant 0 : index
    %get3A_25 = arith.constant 0 : index
    %get3A_26 = vector.load %arg7[%get3A_24, %get3A_25] : memref<32x32xf32, #tpu.memory_space<vmem>>, vector<32x32xf32>
    %dot_general3A_27 = arith.constant dense<0.000000e+00> : vector<32x6400xf32>
    %dot_general3A_28 = tpu.matmul %get3A_26, %mul3A_18, %dot_general3A_27 {dimension_numbers = #tpu.dot_dimension_numbers<[1], [0], [0], [1], [0, 0, 1, 1], [], []>, transpose_lhs_hint = false} : vector<32x32xf32>, vector<32x6400xf32>, vector<32x6400xf32> -> vector<32x6400xf32>
    %slice3A = vector.extract_strided_slice %dot_general3A_23 {offsets = [0, 0], sizes = [32, 6400], strides = [1, 1]} : vector<512x6400xf32> to vector<32x6400xf32>
    %slice3A_29 = vector.extract_strided_slice %max3A_11 {offsets = [0, 0], sizes = [1, 6400], strides = [1, 1]} : vector<16x6400xf32> to vector<1x6400xf32>
    %mul3A_30 = vector.broadcast %slice3A_29 : vector<1x6400xf32> to vector<32x6400xf32>
    %mul3A_31 = arith.mulf %slice3A, %mul3A_30 : vector<32x6400xf32>
    %add3A_32 = arith.addf %dot_general3A_28, %mul3A_31 : vector<32x6400xf32>
    %slice3A_33 = vector.extract_strided_slice %dot_general3A_23 {offsets = [32, 0], sizes = [32, 6400], strides = [1, 1]} : vector<512x6400xf32> to vector<32x6400xf32>
    %slice3A_34 = vector.extract_strided_slice %max3A_11 {offsets = [1, 0], sizes = [1, 6400], strides = [1, 1]} : vector<16x6400xf32> to vector<1x6400xf32>
    %mul3A_35 = vector.broadcast %slice3A_34 : vector<1x6400xf32> to vector<32x6400xf32>
    %mul3A_36 = arith.mulf %slice3A_33, %mul3A_35 : vector<32x6400xf32>
    %add3A_37 = arith.addf %add3A_32, %mul3A_36 : vector<32x6400xf32>
    %slice3A_38 = vector.extract_strided_slice %dot_general3A_23 {offsets = [64, 0], sizes = [32, 6400], strides = [1, 1]} : vector<512x6400xf32> to vector<32x6400xf32>
    %slice3A_39 = vector.extract_strided_slice %max3A_11 {offsets = [2, 0], sizes = [1, 6400], strides = [1, 1]} : vector<16x6400xf32> to vector<1x6400xf32>
    %mul3A_40 = vector.broadcast %slice3A_39 : vector<1x6400xf32> to vector<32x6400xf32>
    %mul3A_41 = arith.mulf %slice3A_38, %mul3A_40 : vector<32x6400xf32>
    %add3A_42 = arith.addf %add3A_37, %mul3A_41 : vector<32x6400xf32>
    %slice3A_43 = vector.extract_strided_slice %dot_general3A_23 {offsets = [96, 0], sizes = [32, 6400], strides = [1, 1]} : vector<512x6400xf32> to vector<32x6400xf32>
    %slice3A_44 = vector.extract_strided_slice %max3A_11 {offsets = [3, 0], sizes = [1, 6400], strides = [1, 1]} : vector<16x6400xf32> to vector<1x6400xf32>
    %mul3A_45 = vector.broadcast %slice3A_44 : vector<1x6400xf32> to vector<32x6400xf32>
    %mul3A_46 = arith.mulf %slice3A_43, %mul3A_45 : vector<32x6400xf32>
    %add3A_47 = arith.addf %add3A_42, %mul3A_46 : vector<32x6400xf32>
    %slice3A_48 = vector.extract_strided_slice %dot_general3A_23 {offsets = [128, 0], sizes = [32, 6400], strides = [1, 1]} : vector<512x6400xf32> to vector<32x6400xf32>
    %slice3A_49 = vector.extract_strided_slice %max3A_11 {offsets = [4, 0], sizes = [1, 6400], strides = [1, 1]} : vector<16x6400xf32> to vector<1x6400xf32>
    %mul3A_50 = vector.broadcast %slice3A_49 : vector<1x6400xf32> to vector<32x6400xf32>
    %mul3A_51 = arith.mulf %slice3A_48, %mul3A_50 : vector<32x6400xf32>
    %add3A_52 = arith.addf %add3A_47, %mul3A_51 : vector<32x6400xf32>
    %slice3A_53 = vector.extract_strided_slice %dot_general3A_23 {offsets = [160, 0], sizes = [32, 6400], strides = [1, 1]} : vector<512x6400xf32> to vector<32x6400xf32>
    %slice3A_54 = vector.extract_strided_slice %max3A_11 {offsets = [5, 0], sizes = [1, 6400], strides = [1, 1]} : vector<16x6400xf32> to vector<1x6400xf32>
    %mul3A_55 = vector.broadcast %slice3A_54 : vector<1x6400xf32> to vector<32x6400xf32>
    %mul3A_56 = arith.mulf %slice3A_53, %mul3A_55 : vector<32x6400xf32>
    %add3A_57 = arith.addf %add3A_52, %mul3A_56 : vector<32x6400xf32>
    %slice3A_58 = vector.extract_strided_slice %dot_general3A_23 {offsets = [192, 0], sizes = [32, 6400], strides = [1, 1]} : vector<512x6400xf32> to vector<32x6400xf32>
    %slice3A_59 = vector.extract_strided_slice %max3A_11 {offsets = [6, 0], sizes = [1, 6400], strides = [1, 1]} : vector<16x6400xf32> to vector<1x6400xf32>
    %mul3A_60 = vector.broadcast %slice3A_59 : vector<1x6400xf32> to vector<32x6400xf32>
    %mul3A_61 = arith.mulf %slice3A_58, %mul3A_60 : vector<32x6400xf32>
    %add3A_62 = arith.addf %add3A_57, %mul3A_61 : vector<32x6400xf32>
    %slice3A_63 = vector.extract_strided_slice %dot_general3A_23 {offsets = [224, 0], sizes = [32, 6400], strides = [1, 1]} : vector<512x6400xf32> to vector<32x6400xf32>
    %slice3A_64 = vector.extract_strided_slice %max3A_11 {offsets = [7, 0], sizes = [1, 6400], strides = [1, 1]} : vector<16x6400xf32> to vector<1x6400xf32>
    %mul3A_65 = vector.broadcast %slice3A_64 : vector<1x6400xf32> to vector<32x6400xf32>
    %mul3A_66 = arith.mulf %slice3A_63, %mul3A_65 : vector<32x6400xf32>
    %add3A_67 = arith.addf %add3A_62, %mul3A_66 : vector<32x6400xf32>
    %slice3A_68 = vector.extract_strided_slice %dot_general3A_23 {offsets = [256, 0], sizes = [32, 6400], strides = [1, 1]} : vector<512x6400xf32> to vector<32x6400xf32>
    %slice3A_69 = vector.extract_strided_slice %max3A_11 {offsets = [8, 0], sizes = [1, 6400], strides = [1, 1]} : vector<16x6400xf32> to vector<1x6400xf32>
    %mul3A_70 = vector.broadcast %slice3A_69 : vector<1x6400xf32> to vector<32x6400xf32>
    %mul3A_71 = arith.mulf %slice3A_68, %mul3A_70 : vector<32x6400xf32>
    %add3A_72 = arith.addf %add3A_67, %mul3A_71 : vector<32x6400xf32>
    %slice3A_73 = vector.extract_strided_slice %dot_general3A_23 {offsets = [288, 0], sizes = [32, 6400], strides = [1, 1]} : vector<512x6400xf32> to vector<32x6400xf32>
    %slice3A_74 = vector.extract_strided_slice %max3A_11 {offsets = [9, 0], sizes = [1, 6400], strides = [1, 1]} : vector<16x6400xf32> to vector<1x6400xf32>
    %mul3A_75 = vector.broadcast %slice3A_74 : vector<1x6400xf32> to vector<32x6400xf32>
    %mul3A_76 = arith.mulf %slice3A_73, %mul3A_75 : vector<32x6400xf32>
    %add3A_77 = arith.addf %add3A_72, %mul3A_76 : vector<32x6400xf32>
    %slice3A_78 = vector.extract_strided_slice %dot_general3A_23 {offsets = [320, 0], sizes = [32, 6400], strides = [1, 1]} : vector<512x6400xf32> to vector<32x6400xf32>
    %slice3A_79 = vector.extract_strided_slice %max3A_11 {offsets = [10, 0], sizes = [1, 6400], strides = [1, 1]} : vector<16x6400xf32> to vector<1x6400xf32>
    %mul3A_80 = vector.broadcast %slice3A_79 : vector<1x6400xf32> to vector<32x6400xf32>
    %mul3A_81 = arith.mulf %slice3A_78, %mul3A_80 : vector<32x6400xf32>
    %add3A_82 = arith.addf %add3A_77, %mul3A_81 : vector<32x6400xf32>
    %slice3A_83 = vector.extract_strided_slice %dot_general3A_23 {offsets = [352, 0], sizes = [32, 6400], strides = [1, 1]} : vector<512x6400xf32> to vector<32x6400xf32>
    %slice3A_84 = vector.extract_strided_slice %max3A_11 {offsets = [11, 0], sizes = [1, 6400], strides = [1, 1]} : vector<16x6400xf32> to vector<1x6400xf32>
    %mul3A_85 = vector.broadcast %slice3A_84 : vector<1x6400xf32> to vector<32x6400xf32>
    %mul3A_86 = arith.mulf %slice3A_83, %mul3A_85 : vector<32x6400xf32>
    %add3A_87 = arith.addf %add3A_82, %mul3A_86 : vector<32x6400xf32>
    %slice3A_88 = vector.extract_strided_slice %dot_general3A_23 {offsets = [384, 0], sizes = [32, 6400], strides = [1, 1]} : vector<512x6400xf32> to vector<32x6400xf32>
    %slice3A_89 = vector.extract_strided_slice %max3A_11 {offsets = [12, 0], sizes = [1, 6400], strides = [1, 1]} : vector<16x6400xf32> to vector<1x6400xf32>
    %mul3A_90 = vector.broadcast %slice3A_89 : vector<1x6400xf32> to vector<32x6400xf32>
    %mul3A_91 = arith.mulf %slice3A_88, %mul3A_90 : vector<32x6400xf32>
    %add3A_92 = arith.addf %add3A_87, %mul3A_91 : vector<32x6400xf32>
    %slice3A_93 = vector.extract_strided_slice %dot_general3A_23 {offsets = [416, 0], sizes = [32, 6400], strides = [1, 1]} : vector<512x6400xf32> to vector<32x6400xf32>
    %slice3A_94 = vector.extract_strided_slice %max3A_11 {offsets = [13, 0], sizes = [1, 6400], strides = [1, 1]} : vector<16x6400xf32> to vector<1x6400xf32>
    %mul3A_95 = vector.broadcast %slice3A_94 : vector<1x6400xf32> to vector<32x6400xf32>
    %mul3A_96 = arith.mulf %slice3A_93, %mul3A_95 : vector<32x6400xf32>
    %add3A_97 = arith.addf %add3A_92, %mul3A_96 : vector<32x6400xf32>
    %slice3A_98 = vector.extract_strided_slice %dot_general3A_23 {offsets = [448, 0], sizes = [32, 6400], strides = [1, 1]} : vector<512x6400xf32> to vector<32x6400xf32>
    %slice3A_99 = vector.extract_strided_slice %max3A_11 {offsets = [14, 0], sizes = [1, 6400], strides = [1, 1]} : vector<16x6400xf32> to vector<1x6400xf32>
    %mul3A_100 = vector.broadcast %slice3A_99 : vector<1x6400xf32> to vector<32x6400xf32>
    %mul3A_101 = arith.mulf %slice3A_98, %mul3A_100 : vector<32x6400xf32>
    %add3A_102 = arith.addf %add3A_97, %mul3A_101 : vector<32x6400xf32>
    %slice3A_103 = vector.extract_strided_slice %dot_general3A_23 {offsets = [480, 0], sizes = [32, 6400], strides = [1, 1]} : vector<512x6400xf32> to vector<32x6400xf32>
    %slice3A_104 = vector.extract_strided_slice %max3A_11 {offsets = [15, 0], sizes = [1, 6400], strides = [1, 1]} : vector<16x6400xf32> to vector<1x6400xf32>
    %mul3A_105 = vector.broadcast %slice3A_104 : vector<1x6400xf32> to vector<32x6400xf32>
    %mul3A_106 = arith.mulf %slice3A_103, %mul3A_105 : vector<32x6400xf32>
    %add3A_107 = arith.addf %add3A_102, %mul3A_106 : vector<32x6400xf32>
    %swap3A = arith.constant 0 : index
    %swap3A_108 = arith.constant 0 : index
    %swap3A_109 = vector.load %arg8[%swap3A, %swap3A_108] : memref<32x6400xf32, #tpu.memory_space<vmem>>, vector<32x6400xf32>
    tpu.vector_store %arg8[%swap3A, %swap3A_108], %add3A_107 {strides = array<i32>} : memref<32x6400xf32, #tpu.memory_space<vmem>>, vector<32x6400xf32>,
    return
  }
  func.func @transform_0(%arg0: i32) -> (i32, i32) {
    %add3A = arith.constant 15 : i32
    %add3A_0 = arith.addi %arg0, %add3A : i32
    %c0_i32 = arith.constant 0 : i32
    %c0_i32_1 = arith.constant 0 : i32
    return %c0_i32, %add3A_0 : i32, i32
  }
  func.func @transform_1(%arg0: i32) -> (i32, i32) {
    %c0_i32 = arith.constant 0 : i32
    %c0_i32_0 = arith.constant 0 : i32
    return %c0_i32, %arg0 : i32, i32
  }
  func.func @transform_2(%arg0: i32) -> (i32, i32) {
    %add3A = arith.constant 15 : i32
    %add3A_0 = arith.addi %arg0, %add3A : i32
    %c0_i32 = arith.constant 0 : i32
    %c0_i32_1 = arith.constant 0 : i32
    return %c0_i32, %add3A_0 : i32, i32
  }
  func.func @transform_3(%arg0: i32) -> (i32, i32) {
    %c0_i32 = arith.constant 0 : i32
    %c0_i32_0 = arith.constant 0 : i32
    %c0_i32_1 = arith.constant 0 : i32
    return %c0_i32, %c0_i32_0 : i32, i32
  }
  func.func @transform_4(%arg0: i32) -> (i32, i32) {
    %c0_i32 = arith.constant 0 : i32
    %c0_i32_0 = arith.constant 0 : i32
    %c0_i32_1 = arith.constant 0 : i32
    return %c0_i32, %c0_i32_0 : i32, i32
  }
  func.func @transform_5(%arg0: i32) -> (i32, i32) {
    %c0_i32 = arith.constant 0 : i32
    %c0_i32_0 = arith.constant 0 : i32
    %c0_i32_1 = arith.constant 0 : i32
    return %c0_i32, %c0_i32_0 : i32, i32
  }
  func.func @transform_6(%arg0: i32) -> (i32, i32) {
    %c0_i32 = arith.constant 0 : i32
    %c0_i32_0 = arith.constant 0 : i32
    %c0_i32_1 = arith.constant 0 : i32
    return %c0_i32, %c0_i32_0 : i32, i32
  }
  func.func @transform_7(%arg0: i32) -> (i32, i32) {
    %c0_i32 = arith.constant 0 : i32
    %c0_i32_0 = arith.constant 0 : i32
    return %c0_i32, %arg0 : i32, i32
  }
}

module attributes {stable_mosaic.version = 14 : i64} {
  func.func @_final_body(%arg0: memref<2x10000x32xf32, #tpu.memory_space<vmem>>, %arg1: memref<2x10000x32xf32, #tpu.memory_space<vmem>>, %arg2: memref<2x10000x16xf32, #tpu.memory_space<vmem>>, %arg3: memref<2x10000x16xf32, #tpu.memory_space<vmem>>, %arg4: memref<10000x32xf32, #tpu.memory_space<vmem>>, %arg5: memref<10000x32xf32, #tpu.memory_space<vmem>>) attributes {dimension_semantics = [], scalar_prefetch = 0 : i64, scratch_operands = 0 : i64, tpu.core_type = #tpu.core_type<tc>} {
    %get3A = arith.constant 0 : index
    %get3A_0 = arith.constant 0 : index
    %get3A_1 = arith.constant 0 : index
    %get3A_2 = vector.load %arg0[%get3A, %get3A_0, %get3A_1] : memref<2x10000x32xf32, #tpu.memory_space<vmem>>, vector<1x10000x32xf32>
    %get3A_3 = vector.shape_cast %get3A_2 : vector<1x10000x32xf32> to vector<10000x32xf32>
    %get3A_4 = arith.constant 1 : index
    %get3A_5 = arith.constant 0 : index
    %get3A_6 = arith.constant 0 : index
    %get3A_7 = vector.load %arg0[%get3A_4, %get3A_5, %get3A_6] : memref<2x10000x32xf32, #tpu.memory_space<vmem>>, vector<1x10000x32xf32>
    %get3A_8 = vector.shape_cast %get3A_7 : vector<1x10000x32xf32> to vector<10000x32xf32>
    %add3A = arith.addf %get3A_3, %get3A_8 : vector<10000x32xf32>
    %get3A_9 = arith.constant 0 : index
    %get3A_10 = arith.constant 0 : index
    %get3A_11 = arith.constant 0 : index
    %get3A_12 = vector.load %arg1[%get3A_9, %get3A_10, %get3A_11] : memref<2x10000x32xf32, #tpu.memory_space<vmem>>, vector<1x10000x32xf32>
    %get3A_13 = vector.shape_cast %get3A_12 : vector<1x10000x32xf32> to vector<10000x32xf32>
    %add3A_14 = arith.addf %add3A, %get3A_13 : vector<10000x32xf32>
    %get3A_15 = arith.constant 1 : index
    %get3A_16 = arith.constant 0 : index
    %get3A_17 = arith.constant 0 : index
    %get3A_18 = vector.load %arg1[%get3A_15, %get3A_16, %get3A_17] : memref<2x10000x32xf32, #tpu.memory_space<vmem>>, vector<1x10000x32xf32>
    %get3A_19 = vector.shape_cast %get3A_18 : vector<1x10000x32xf32> to vector<10000x32xf32>
    %add3A_20 = arith.addf %add3A_14, %get3A_19 : vector<10000x32xf32>
    %get3A_21 = arith.constant 0 : index
    %get3A_22 = arith.constant 0 : index
    %get3A_23 = arith.constant 0 : index
    %get3A_24 = vector.load %arg2[%get3A_21, %get3A_22, %get3A_23] : memref<2x10000x16xf32, #tpu.memory_space<vmem>>, vector<1x10000x1xf32>
    %get3A_25 = vector.shape_cast %get3A_24 : vector<1x10000x1xf32> to vector<10000x1xf32>
    %get3A_26 = arith.constant 1 : index
    %get3A_27 = arith.constant 0 : index
    %get3A_28 = arith.constant 0 : index
    %get3A_29 = vector.load %arg2[%get3A_26, %get3A_27, %get3A_28] : memref<2x10000x16xf32, #tpu.memory_space<vmem>>, vector<1x10000x1xf32>
    %get3A_30 = vector.shape_cast %get3A_29 : vector<1x10000x1xf32> to vector<10000x1xf32>
    %add3A_31 = arith.addf %get3A_25, %get3A_30 : vector<10000x1xf32>
    %get3A_32 = arith.constant 0 : index
    %get3A_33 = arith.constant 0 : index
    %get3A_34 = arith.constant 0 : index
    %get3A_35 = vector.load %arg3[%get3A_32, %get3A_33, %get3A_34] : memref<2x10000x16xf32, #tpu.memory_space<vmem>>, vector<1x10000x1xf32>
    %get3A_36 = vector.shape_cast %get3A_35 : vector<1x10000x1xf32> to vector<10000x1xf32>
    %add3A_37 = arith.addf %add3A_31, %get3A_36 : vector<10000x1xf32>
    %get3A_38 = arith.constant 1 : index
    %get3A_39 = arith.constant 0 : index
    %get3A_40 = arith.constant 0 : index
    %get3A_41 = vector.load %arg3[%get3A_38, %get3A_39, %get3A_40] : memref<2x10000x16xf32, #tpu.memory_space<vmem>>, vector<1x10000x1xf32>
    %get3A_42 = vector.shape_cast %get3A_41 : vector<1x10000x1xf32> to vector<10000x1xf32>
    %add3A_43 = arith.addf %add3A_37, %get3A_42 : vector<10000x1xf32>
    %max3A = arith.constant 1.1920929E-7 : f32
    %max3A_44 = vector.broadcast %max3A : f32 to vector<10000x1xf32>
    %max3A_45 = arith.maximumf %add3A_43, %max3A_44 : vector<10000x1xf32>
    %div3A = vector.broadcast %max3A_45 : vector<10000x1xf32> to vector<10000x32xf32>
    %div3A_46 = arith.divf %add3A_20, %div3A : vector<10000x32xf32>
    %get3A_47 = arith.constant 0 : index
    %get3A_48 = arith.constant 0 : index
    %get3A_49 = vector.load %arg4[%get3A_47, %get3A_48] : memref<10000x32xf32, #tpu.memory_space<vmem>>, vector<10000x32xf32>
    %add3A_50 = arith.addf %div3A_46, %get3A_49 : vector<10000x32xf32>
    %swap3A = arith.constant 0 : index
    %swap3A_51 = arith.constant 0 : index
    %swap3A_52 = vector.load %arg5[%swap3A, %swap3A_51] : memref<10000x32xf32, #tpu.memory_space<vmem>>, vector<10000x32xf32>
    tpu.vector_store %arg5[%swap3A, %swap3A_51], %add3A_50 {strides = array<i32>} : memref<10000x32xf32, #tpu.memory_space<vmem>>, vector<10000x32xf32>,
    return
  }
}

</mosaic_0001>

<sc_bundles>
// kernel: kernel.12.cloned.1.call-start
scs
__scs_entry_jumppad:
0x0: {  	(pc) =	sbr.rel $0x88, $3  }
0x1: {  	(tag) =	ssettag $0x0;
	lr =	simm.s32 $0x1  }
0x2: {  	[smem:$0x3F99] =	sst lr;
	_ =	strace $0xD0000000  }
0x3: {  	_ = 	snop  }
0x4: {  	_ = 	snop  }
0x5: {  	_ = 	snop  }
0x6: {  	_ = 	snop  }
0x7: {  	_ = 	snop  }
__scs_overlays_trampoline_lowered:
0x8: {  	[smem:$0x3FA8] =	sst s0  }
0x9: {  	[smem:$0x3FA9] =	sst s1  }
0xa: {  	[smem:$0x3FAA] =	sst s2  }
0xb: {  	[smem:$0x3FAB] =	sst s3  }
0xc: {  	[smem:$0x3FAC] =	sst s4  }
0xd: {  	[smem:$0x3FAD] =	sst s5  }
0xe: {  	[smem:$0x3FAE] =	sst s6  }
0xf: {  	[smem:$0x3FAF] =	sst s7  }
0x10: {  	[smem:$0x3FB0] =	sst s8  }
0x11: {  	[smem:$0x3FB1] =	sst s9;
	s0 =	simm.s32 @!p0 $0x0  }
0x12: {  	s1 =	sld [smem:$0x3F97];
	s0 =	simm.s32 @p0 $0x1  }
0x13: {  	[smem:$0x3FB2] =	sst s0;
	s0 =	simm.s32 @!p1 $0x0  }
0x14: {  	s2 =	sld [smem:$0x3F96];
	s0 =	simm.s32 @p1 $0x1  }
0x15: {  	[smem:$0x3FB3] =	sst s0;
	s0 =	simm.s32 @!p2 $0x0  }
0x16: {  	s3 =	sld [smem:$0x3FDB];
	s0 =	simm.s32 @p2 $0x1  }
0x17: {  	s4 =	simm.s32 $0x1BF5;
	[smem:$0x3FB5] =	sst s0  }
0x18: {  	s0 =	sld [smem:$0x3F98];
	_ =	swait.ge [sflag:s4], $0x0  }
0x19: {  	s7 =	sld [smem:$0x3F99]  }
0x1a: {  	s8 =	sadd.s32 $0xFFFFE003, lr  }
0x1b: {  	s9 =	sadd.s32 $0xFFFFFEF7, lr;
	s5 =	simm.s32 $0xFFFFFFFF;
	p2 =	slt.u32 s8, $0xFFFFF086  }
0x1c: {  	p1 =	slt.u32 s9, $0xF7A;
	s5 =	simm.s32 @!p2 $0x0  }
0x1d: {  	s5 =	simm.s32 @p1 $0x1;
	p0 =	seq.s32 s7, s2  }
0x1e: {  	s7 =	smul.u32 @!p0 $0xF7A, s2;
	p2 =	seq.s32 @!p0 s5, $0x0  }
0x1f: {  	s9 =	smul.u32 $0xF7A, s1;
	s8 =	simm.s32 @!p0 $0x1BF5;
	p2 =	por !p2, p0  }
0x20: {  	[sflag:s8] =	ssyncset.s32 @!p0 $0xFFFFF086;
	s6 =	sadd.s32 @!p0 s3, s7;
	s7 =	simm.s32 @!p0 $0x108  }
0x21: {  	s3 =	sadd.s32 s3, s9;
	s6 =	sadd.s32 @!p0 $0x88, s6;
	s7 =	simm.s32 @p2 $0x1082  }
0x22: {  	[simem:s7], [sflag:s8] =	dma.local @!p0 [hbm:s6], $0xF7A  }
0x23: {  	s9 =	sor.u32 $0xD0000000, s2;
	s6 =	simm.s32 $0x108;
	_ =	swait.ge @!p0 [sflag:s8], $0x0  }
0x24: {  	s3 =	sadd.s32 $0x88, s3;
	s6 =	simm.s32 @!p1 $0x1082;
	[sflag:s4] =	ssyncset.s32 $0xFFFFF086  }
0x25: {  	[simem:s6], [sflag:s4] =	dma.local [hbm:s3], $0xF7A  }
0x26: {  	[smem:$0x3F99] =	sst s1;
	(tag) =	ssettag s2;
	_ =	strace s9  }
0x27: {  	s1 =	sld [smem:$0x3FA9]  }
0x28: {  	s2 =	sld [smem:$0x3FAA]  }
0x29: {  	s4 =	sld [smem:$0x3FAC]  }
0x2a: {  	p0 =	seq.s32 s5, $0x0;
	s5 =	sld [smem:$0x3FAD]  }
0x2b: {  	s6 =	sld [smem:$0x3FAE]  }
0x2c: {  	s7 =	sld [smem:$0x3FAF]  }
0x2d: {  	s3 =	simm.s32 $0x108;
	s8 =	sld [smem:$0x3FB0]  }
0x2e: {  	s3 =	simm.s32 @!p0 $0x1082;
	s9 =	sld [smem:$0x3FB1]  }
0x2f: {  	lr =	sadd.s32 s0, s3;
	s0 =	sld [smem:$0x3FA8]  }
0x30: {  	s3 =	sld [smem:$0x3FAB]  }
0x31: {  	[smem:$0x3FB4] =	sst s10  }
0x32: {  	s10 =	sld [smem:$0x3FB2];
	_ =	sdelay $0x3  }
0x33: {  	p0 =	seq.s32 s10, $0x1;
	s10 =	sld [smem:$0x3FB4];
	_ =	sdelay $0x3  }
0x34: {  	[smem:$0x3FB4] =	sst s10  }
0x35: {  	s10 =	sld [smem:$0x3FB3];
	_ =	sdelay $0x3  }
0x36: {  	p1 =	seq.s32 s10, $0x1;
	s10 =	sld [smem:$0x3FB4];
	_ =	sdelay $0x3  }
0x37: {  	[smem:$0x3FB4] =	sst s10  }
0x38: {  	s10 =	sld [smem:$0x3FB5]  }
0x39: {  	_ = 	snop;
	(pc) =	sbr.ind lr, $3  }
0x3a: {  	_ = 	snop  }
0x3b: {  	_ = 	snop  }
0x3c: {  	p2 =	seq.s32 s10, $0x1;
	s10 =	sld [smem:$0x3FB4]  }
0x3d: {  	_ =	shalt  }
0x3e: {  	_ =	shalt  }
0x3f: {  	_ =	shalt  }
0x40: {  	_ =	shalt  }
0x41: {  	_ =	shalt  }
0x42: {  	_ =	shalt  }
0x43: {  	_ =	shalt  }
0x44: {  	_ =	shalt  }
0x45: {  	_ =	shalt  }
0x46: {  	_ =	shalt  }
0x47: {  	_ =	shalt  }
0x48: {  	_ =	shalt  }
0x49: {  	_ =	shalt  }
0x4a: {  	_ =	shalt  }
0x4b: {  	_ =	shalt  }
0x4c: {  	_ =	shalt  }
0x4d: {  	_ =	shalt  }
0x4e: {  	_ =	shalt  }
0x4f: {  	_ =	shalt  }
0x50: {  	_ =	shalt  }
0x51: {  	_ =	shalt  }
0x52: {  	_ =	shalt  }
0x53: {  	_ =	shalt  }
0x54: {  	_ =	shalt  }
0x55: {  	_ =	shalt  }
0x56: {  	_ =	shalt  }
0x57: {  	_ =	shalt  }
0x58: {  	_ =	shalt  }
0x59: {  	_ =	shalt  }
0x5a: {  	_ =	shalt  }
0x5b: {  	_ =	shalt  }
0x5c: {  	_ =	shalt  }
0x5d: {  	_ =	shalt  }
0x5e: {  	_ =	shalt  }
0x5f: {  	_ =	shalt  }
0x60: {  	_ =	shalt  }
0x61: {  	_ =	shalt  }
0x62: {  	_ =	shalt  }
0x63: {  	_ =	shalt  }
0x64: {  	_ =	shalt  }
0x65: {  	_ =	shalt  }
0x66: {  	_ =	shalt  }
0x67: {  	_ =	shalt  }
0x68: {  	_ =	shalt  }
0x69: {  	_ =	shalt  }
0x6a: {  	_ =	shalt  }
0x6b: {  	_ =	shalt  }
0x6c: {  	_ =	shalt  }
0x6d: {  	_ =	shalt  }
0x6e: {  	_ =	shalt  }
0x6f: {  	_ =	shalt  }
0x70: {  	_ =	shalt  }
0x71: {  	_ =	shalt  }
0x72: {  	_ =	shalt  }
0x73: {  	_ =	shalt  }
0x74: {  	_ =	shalt  }
0x75: {  	_ =	shalt  }
0x76: {  	_ =	shalt  }
0x77: {  	_ =	shalt  }
0x78: {  	_ =	shalt  }
0x79: {  	_ =	shalt  }
0x7a: {  	_ =	shalt  }
0x7b: {  	_ =	shalt  }
0x7c: {  	_ =	shalt  }
0x7d: {  	_ =	shalt  }
0x7e: {  	_ =	shalt  }
0x7f: {  	_ =	shalt  }
0x80: {  	_ =	shalt  }
0x81: {  	_ =	shalt  }
0x82: {  	_ =	shalt  }
0x83: {  	_ =	shalt  }
0x84: {  	_ =	shalt  }
0x85: {  	_ =	shalt  }
0x86: {  	_ =	shalt  }
0x87: {  	_ =	shalt  }
.Lfunc_end0:
.L_simem_size_0:
called_computation.1_lowered:
.L_overlay_start_0:
0x88: {  	s2 =	sld [smem:$0x3FD9]  }
0x89: {  	s3 =	sld [smem:$0x3FFE];
	_ =	sdelay $0x1  }
0x8a: {  	s1 =	srdreg.scid  }
0x8b: {  	s0 =	sand.u32 $0x1, s1  }
0x8c: {  	s17 =	sshll.u32 s0, $0xA;
	s2 =	sadd.s32 s3, s2  }
0x8d: {  	s2 =	sadd.s32 s2, s17  }
0x8e: {  	[smem:$0x3FC0] =	sst s2  }
0x8f: {  	_ = 	snop  }
0x90: {  	(tm) =	ssettm $0x1  }
0x91: {  	s18 =	sld [smem:$0x3FFB];
	_ =	sdelay $0x3  }
0x92: {  	_ =	strace s18  }
0x93: {  	s2 =	sld [smem:$0x3FFC];
	_ =	sdelay $0x3  }
0x94: {  	_ =	strace s2  }
0x95: {  	s2 =	sld [smem:$0x3FFD];
	_ =	sdelay $0x3  }
0x96: {  	_ =	strace s2  }
0x97: {  	_ =	strace $0x8FFFFFFF  }
0x98: {  	s19 =	sld [smem:$0x3FDB];
	_ =	sdelay $0x1  }
0x99: {  	s20 =	simm.s32 $_scs_section_size  }
0x9a: {  	s4 =	simm.s32 $_size__tile_overlayer_lowered;
	s5 =	simm.s32 $_tile_overlayer_lowered  }
0x9b: {  	s6 =	simm.s32 $0x1BFF;
	s21 =	sshll.u32 s5, $0x1;
	s3 =	sadd.s32 s20, s19  }
0x9c: {  	s22 =	simm.s32 $0x0;
	s4 =	sshll.u32 s4, $0x1;
	s5 =	sadd.s32 s21, s3  }
0x9d: {  	[timem:s22], [sflag:s6] =	dma.local [hbm:s5], s4  }
0x9e: {  	_ =	swait.ge [sflag:s6], s4  }
0x9f: {  	s4 =	ssub.s32 $0x0, s4;
	[sflag:s6] =	ssyncset.done $0x0  }
0xa0: {  	[sflag:s6] =	ssyncadd.s32 s4;
	_ =	sdelay $0x1  }
0xa1: {  	s23 =	simm.s32 $0x1B8B  }
0xa2: {  	_ =	swait.ge [sflag:s23], $0x1  }
0xa3: {  	[sflag:s23] =	ssyncset.done $0x0  }
0xa4: {  	[sflag:s23] =	ssyncadd.s32 $0xFFFFFFFF  }
0xa5: {  	s4 =	sld [smem:$0x0]  }
0xa6: {  	s5 =	sand.u32 $0xFFFFFFFE, s1  }
0xa7: {  	p0 =	sne.s32 s1, s5  }
0xa8: {  	s5 =	sshll.u32 @p0 s5, $0xE  }
0xa9: {  	s5 =	sadd.s32 @p0 $0x11B8D, s5;
	s6 =	sshll.u32 @p0 s4, $0x11  }
0xaa: {  	s5 =	sor.u32 @p0 s6, s5  }
0xab: {  	[sflag:s5] =	ssyncadd.remote.s32 @p0 $0x1;
	_ =	sdelay $0x1  }
0xac: {  	s5 =	simm.s32 @p0 $0x1B8D  }
0xad: {  	_ =	swait.eq @p0 [sflag:s5], $0x1  }
0xae: {  	[sflag:s5] =	ssyncadd.s32 @p0 $0xFFFFFFFF  }
0xaf: {  	s6 =	sshll.u32 @!p0 s1, $0xE  }
0xb0: {  	s6 =	sor.u32 @!p0 $0x4000, s6;
	s5 =	simm.s32 @!p0 $0x1B8D  }
0xb1: {  	s4 =	sshll.u32 @!p0 s4, $0x11;
	s6 =	sadd.s32 @!p0 $0x11B8D, s6;
	_ =	swait.eq @!p0 [sflag:s5], $0x1  }
0xb2: {  	s4 =	sor.u32 @!p0 s4, s6;
	[sflag:s5] =	ssyncadd.s32 @!p0 $0xFFFFFFFF  }
0xb3: {  	s25 =	simm.s32 $0x1B8E;
	s24 =	sld [smem:$0x3FFE];
	[sflag:s4] =	ssyncadd.remote.s32 @!p0 $0x1  }
0xb4: {  	s26 =	simm.s32 $execute0_lowered;
	[smem:$0x3FD2] =	sst s25  }
0xb5: {  	s5 =	sshll.u32 s26, $0x1;
	_ =	strace $0x8000004C;
	[dreg:$0x1] =	wrdreg $0xFFFFFFFF  }
0xb6: {  	s28 =	simm.s32 $_size_execute0_lowered;
	s3 =	sadd.s32 s3, s5;
	[dreg:$0x0] =	wrdreg $0x0  }
0xb7: {  	s5 =	sshll.u32 s28, $0x1;
	[dreg:$0x2] =	wrdreg s3  }
0xb8: {  	[dreg:$0x3] =	wrdreg s5  }
0xb9: {  	[dreg:$0x4] =	wrdreg $0xC0  }
0xba: {  	_ =	task [dreg:s22], $0x5FFFF  }
0xbb: {  	[dreg:$0x1] =	wrdreg $0xFFFFFFFF  }
0xbc: {  	[dreg:$0x0] =	wrdreg $0x60  }
0xbd: {  	[dreg:$0x2] =	wrdreg s24  }
0xbe: {  	[dreg:$0x3] =	wrdreg $0xBF680  }
0xbf: {  	[dreg:$0x4] =	wrdreg $0x10D880  }
0xc0: {  	[dreg:$0x5] =	wrdreg $0x9  }
0xc1: {  	_ =	task.clear_ibuf [dreg:s22], $0x6FFFF;
	_ =	strace $0x9000004C  }
0xc2: {  	s29 =	simm.s32 $0x9;
	_ =	strace $0x8000004E  }
0xc3: {  	_ =	swait.ge [sflag:s29], $0x1  }
0xc4: {  	[sflag:s29] =	ssyncadd.s32 $0xFFFFFFFF  }
0xc5: {  	_ =	strace $0x9000004E  }
0xc6: {  	_ =	sfence  }
0xc7: {  	s30 =	sld [smem:$0x0];
	_ =	sdelay $0x2  }
0xc8: {  	s31 =	sshll.u32 s1, $0xD;
	s1 =	sshrl.u32 s1, $0x2  }
0xc9: {  	s4 =	sand.u32 $0x4000, s31;
	s1 =	sadd.s32 s1, s30  }
0xca: {  	s0 =	sor.u32 s4, s0;
	s1 =	sshll.u32 s1, $0x11  }
0xcb: {  	s0 =	sor.u32 s1, s0  }
0xcc: {  	s0 =	sadd.s32 $0x8F2B, s0  }
0xcd: {  	[sflag:s0] =	ssyncadd.remote.s32 $0x1  }
0xce: {  	_ =	sfence.sel $0xFFFF  }
0xcf: {  	[dreg:$0x0] =	wrdreg $0xFFFFFFFF;
	(pc) =	sbr.abs _section_cstart, $3  }
0xd0: {  	[dreg:$0x1] =	wrdreg $0xFFFFFFFF  }
0xd1: {  	_ =	task.clear_ibuf [dreg:s22], $0x2FFFF;
	_ =	strace $0x9FFFFFFF  }
0xd2: {  	(tm) =	ssettm $0x7FFFFFFF  }
0xd3: {  	_ =	shalt  }
tec
execute0_lowered:
.L_overlay_start_1:
0x0: {  	(tag) =	ssettag $0x1  }
0x1: {  	s21 =	rddreg [dreg:$0x0]  }
0x2: {  	s2 =	rddreg [dreg:$0x1]  }
0x3: {  	s0 =	stileid.u32;
	s3 =	rddreg [dreg:$0x2]  }
0x4: {  	s1 =	rddreg [dreg:$0x3];
	s4 =	simm.s32 $0x0;
	s20 =	smul.u32 $0x4E20, s0  }
0x5: {  	[smem:$0x7FF] =	sst s4;
	s22 =	smul.u32 $0x2710, s0  }
0x6: {  	s6 =	sshll.u32 s0, $0x6;
	_ =	strace $0x8000004D;
	s5 =	sshrl.u32 s20, $0x3  }
0x7: {  	s6 =	sor.u32 $0x1C01, s6;
	s7 =	sadd.s32 s20, s2;
	s5 =	sadd.s32 s5, s21  }
0x8: {  	s8 =	sshrl.u32 s7, $0x3;
	s7 =	simm.s32 $0x1;
	s5 =	sadd.s32 $0xD1200, s5  }
0x9: {  	[spmem:s8], [sflag:s6] =	dma.local [hbm:s5], $0x9C4  }
0xa: {  	s9 =	sshrl.u32 s22, $0x3;
	_ =	swait.ge [sflag:s7], $0x9C4  }
0xb: {  	s10 =	sadd.s32 s22, s3;
	s9 =	sadd.s32 s9, s21;
	[sflag:s7] =	ssyncset.done $0x0  }
0xc: {  	s10 =	sshrl.u32 s10, $0x3;
	s9 =	sadd.s32 $0xDB000, s9;
	[sflag:s7] =	ssyncadd.s32 $0xFFFFF63C  }
0xd: {  	[spmem:s10], [sflag:s6] =	dma.local [hbm:s9], $0x4E2  }
0xe: {  	s12 =	srdreg.scid;
	s11 =	sadd.s32 $0xE0000, s21;
	_ =	swait.ge [sflag:s7], $0x4E2  }
0xf: {  	s23 =	sand.u32 $0x1, s12;
	s25 =	sshll.u32 s0, $0x1;
	[sflag:s7] =	ssyncset.done $0x0  }
0x10: {  	s12 =	simm.s32 $0x80E8;
	s14 =	sor.u32 s23, s25;
	[sflag:s7] =	ssyncadd.s32 $0xFFFFFB1E  }
0x11: {  	[tilespmem:s12], [sflag:$0x1] =	stream.linear.gather [hbm4b:s11+s4], $0x3E80, $0x38;
	[tilespmem:$0x13498] =	vst v63  }
0x12: {  	s18 =	smul.u32 $0xBB8, s14;
	_ =	swait.ge [sflag:s7], $0x3E80  }
0x13: {  	[sflag:s7] =	ssyncset.done $0x0  }
0x14: {  	s19 =	sadd.s32 $0x2B000, s21;
	s13 =	sshrl.u32 s18, $0x3;
	[sflag:s7] =	ssyncadd.s32 $0xFFFFC180  }
0x15: {  	s13 =	sadd.s32 s19, s13;
	[bflag:$0x0] =	sbarrier.arrive $0xFFFF  }
0x16: {  	[tilespmem:s4], [sflag:$0x1] =	stream.linear.gather [hbm4b:s13+s4], $0x3E8, $0x38;
	[tilespmem:$0x13498] =	vst v63  }
0x17: {  	s14 =	smul.u32 $0x2EE0, s14;
	_ =	swait.ge [sflag:s7], $0x3E8  }
0x18: {  	s24 =	sadd.s32 $0x34E00, s21;
	[sflag:s7] =	ssyncset.done $0x0  }
0x19: {  	s15 =	simm.s32 $0x3E8;
	s14 =	sadd.s32 s24, s14;
	[sflag:s7] =	ssyncadd.s32 $0xFFFFFC18  }
0x1a: {  	[tilespmem:s15], [sflag:$0x1] =	stream.linear.gather [hbm4b:s14+s4], $0x7D00, $0x38;
	[tilespmem:$0x13498] =	vst v63  }
0x1b: {  	_ =	swait.ge [sflag:s7], $0x7D00  }
0x1c: {  	[sflag:s7] =	ssyncset.done $0x0  }
0x1d: {  	[sflag:s7] =	ssyncadd.s32 $0xFFFF8300  }
0x1e: {  	[spmem:s2] =	stream.indirect.scatter.add.f32 [tilespmem:s15], [sflag:$0x1], $0x20, s4, s15, $0xb8;
	[tilespmem:$0x13498] =	vst v63  }
0x1f: {  	_ =	swait.ge [sflag:s7], $0x7D00  }
0x20: {  	[sflag:s7] =	ssyncset.done $0x0  }
0x21: {  	[sflag:s7] =	ssyncadd.s32 $0xFFFF8300  }
0x22: {  	[spmem:s3] =	stream.indirect.scatter.add.f32 [tilespmem:s12], [sflag:$0x1], $0x10, s4, s15, $0xb8;
	[tilespmem:$0x13498] =	vst v63  }
0x23: {  	s17 =	sadd.s32 $0x3E8, s18;
	_ =	swait.ge [sflag:s7], $0x3E80  }
0x24: {  	s16 =	sshrl.u32 s17, $0x3;
	[sflag:s7] =	ssyncset.done $0x0  }
0x25: {  	s16 =	sadd.s32 s19, s16;
	[sflag:s7] =	ssyncadd.s32 $0xFFFFC180  }
0x26: {  	[tilespmem:s4], [sflag:$0x1] =	stream.linear.gather [hbm4b:s16+s4], $0x3E8, $0x38;
	[tilespmem:$0x13498] =	vst v63  }
0x27: {  	_ =	swait.ge [sflag:s7], $0x3E8  }
0x28: {  	s17 =	sshll.u32 s17, $0x2;
	[sflag:s7] =	ssyncset.done $0x0  }
0x29: {  	s17 =	sadd.s32 s24, s17;
	[sflag:s7] =	ssyncadd.s32 $0xFFFFFC18  }
0x2a: {  	[tilespmem:s15], [sflag:$0x1] =	stream.linear.gather [hbm4b:s17+s4], $0x7D00, $0x38;
	[tilespmem:$0x13498] =	vst v63  }
0x2b: {  	_ =	swait.ge [sflag:s7], $0x7D00  }
0x2c: {  	[sflag:s7] =	ssyncset.done $0x0  }
0x2d: {  	[sflag:s7] =	ssyncadd.s32 $0xFFFF8300  }
0x2e: {  	[spmem:s2] =	stream.indirect.scatter.add.f32 [tilespmem:s15], [sflag:$0x1], $0x20, s4, s15, $0xb8;
	[tilespmem:$0x13498] =	vst v63  }
0x2f: {  	_ =	swait.ge [sflag:s7], $0x7D00  }
0x30: {  	[sflag:s7] =	ssyncset.done $0x0  }
0x31: {  	[sflag:s7] =	ssyncadd.s32 $0xFFFF8300  }
0x32: {  	[spmem:s3] =	stream.indirect.scatter.add.f32 [tilespmem:s12], [sflag:$0x1], $0x10, s4, s15, $0xb8;
	[tilespmem:$0x13498] =	vst v63  }
0x33: {  	s25 =	sadd.s32 $0x7D0, s18;
	_ =	swait.ge [sflag:s7], $0x3E80  }
0x34: {  	s18 =	sshrl.u32 s25, $0x3;
	[sflag:s7] =	ssyncset.done $0x0  }
0x35: {  	s18 =	sadd.s32 s19, s18;
	[sflag:s7] =	ssyncadd.s32 $0xFFFFC180  }
0x36: {  	[tilespmem:s4], [sflag:$0x1] =	stream.linear.gather [hbm4b:s18+s4], $0x3E8, $0x38;
	[tilespmem:$0x13498] =	vst v63  }
0x37: {  	_ =	swait.ge [sflag:s7], $0x3E8  }
0x38: {  	s26 =	sshll.u32 s25, $0x2;
	[sflag:s7] =	ssyncset.done $0x0  }
0x39: {  	s19 =	sadd.s32 s24, s26;
	[sflag:s7] =	ssyncadd.s32 $0xFFFFFC18  }
0x3a: {  	[tilespmem:s15], [sflag:$0x1] =	stream.linear.gather [hbm4b:s19+s4], $0x7D00, $0x38;
	[tilespmem:$0x13498] =	vst v63  }
0x3b: {  	_ =	swait.ge [sflag:s7], $0x7D00  }
0x3c: {  	[sflag:s7] =	ssyncset.done $0x0  }
0x3d: {  	[sflag:s7] =	ssyncadd.s32 $0xFFFF8300  }
0x3e: {  	[spmem:s2] =	stream.indirect.scatter.add.f32 [tilespmem:s15], [sflag:$0x1], $0x20, s4, s15, $0xb8;
	[tilespmem:$0x13498] =	vst v63  }
0x3f: {  	s28 =	smul.u32 $0x4E200, s23;
	_ =	swait.ge [sflag:s7], $0x7D00  }
0x40: {  	s29 =	smul.u32 $0x27100, s23;
	s23 =	ssub.s32 $0x2, s23;
	[sflag:s7] =	ssyncset.done $0x0  }
0x41: {  	s30 =	sshrl.u32 s23, $0x1;
	s20 =	sadd.s32 s20, s28;
	[sflag:s7] =	ssyncadd.s32 $0xFFFF8300  }
0x42: {  	[spmem:s3] =	stream.indirect.scatter.add.f32 [tilespmem:s12], [sflag:$0x1], $0x10, s4, s15, $0xb8;
	[tilespmem:$0x13498] =	vst v63  }
0x43: {  	s22 =	sadd.s32 s22, s29;
	s31 =	ssub.s32 s23, s30;
	_ =	swait.ge [sflag:s7], $0x3E80  }
0x44: {  	s20 =	sshrl.u32 s20, $0x3;
	s22 =	sshrl.u32 s22, $0x3;
	[sflag:s7] =	ssyncset.done $0x0  }
0x45: {  	s20 =	sadd.s32 s20, s21;
	s21 =	sadd.s32 s22, s21;
	[sflag:s7] =	ssyncadd.s32 $0xFFFFC180  }
0x46: {  	s22 =	smax.u32 s31, $0x1;
	s20 =	sadd.s32 $0xE0800, s20;
	[bflag:$0x0] =	sbarrier.arrive $0xFFFF  }
0x47: {  	[hbm:s20], [sflag:s6] =	dma.local [spmem:s8], $0x9C4  }
0x48: {  	p0 =	sne.s32 s22, $0x1;
	_ =	swait.ge [sflag:s7], $0x9C4  }
.Ltmp0:
0x49: {  	[sflag:s7] =	ssyncset.done $0x0;
	(pc) =	sbr.rel @!p0 .LBB2_2-.Ltmp0, $4  }
0x4a: {  	s21 =	sadd.s32 $0xF4200, s21;
	[sflag:s7] =	ssyncadd.s32 $0xFFFFF63C  }
0x4b: {  	[hbm:s21], [sflag:s6] =	dma.local [spmem:s10], $0x4E2  }
0x4c: {  	_ =	swait.ge [sflag:s7], $0x4E2  }
0x4d: {  	s22 =	sadd.s32 $0xFFFFFFFF, s22;
	[sflag:s7] =	ssyncset.done $0x0  }
.LBB2_1:
0x4e: {  	p0 =	sne.s32 s22, $0x1;
	s22 =	sadd.s32 $0xFFFFFFFF, s22;
	[sflag:s7] =	ssyncadd.s32 $0xFFFFFB1E  }
0x4f: {  	[spmem:s8], [sflag:s6] =	dma.local [hbm:s5], $0x9C4  }
0x50: {  	_ =	swait.ge [sflag:s7], $0x9C4  }
0x51: {  	[sflag:s7] =	ssyncset.done $0x0  }
0x52: {  	[sflag:s7] =	ssyncadd.s32 $0xFFFFF63C  }
0x53: {  	[spmem:s10], [sflag:s6] =	dma.local [hbm:s9], $0x4E2  }
0x54: {  	_ =	swait.ge [sflag:s7], $0x4E2  }
0x55: {  	[sflag:s7] =	ssyncset.done $0x0  }
0x56: {  	[sflag:s7] =	ssyncadd.s32 $0xFFFFFB1E  }
0x57: {  	[tilespmem:s12], [sflag:$0x1] =	stream.linear.gather [hbm4b:s11+s4], $0x3E80, $0x38;
	[tilespmem:$0x13498] =	vst v63  }
0x58: {  	_ =	swait.ge [sflag:s7], $0x3E80  }
0x59: {  	[sflag:s7] =	ssyncset.done $0x0  }
0x5a: {  	[sflag:s7] =	ssyncadd.s32 $0xFFFFC180  }
0x5b: {  	[bflag:$0x0] =	sbarrier.arrive $0xFFFF  }
0x5c: {  	[tilespmem:s4], [sflag:$0x1] =	stream.linear.gather [hbm4b:s13+s4], $0x3E8, $0x38;
	[tilespmem:$0x13498] =	vst v63  }
0x5d: {  	_ =	swait.ge [sflag:s7], $0x3E8  }
0x5e: {  	[sflag:s7] =	ssyncset.done $0x0  }
0x5f: {  	[sflag:s7] =	ssyncadd.s32 $0xFFFFFC18  }
0x60: {  	[tilespmem:s15], [sflag:$0x1] =	stream.linear.gather [hbm4b:s14+s4], $0x7D00, $0x38;
	[tilespmem:$0x13498] =	vst v63  }
0x61: {  	_ =	swait.ge [sflag:s7], $0x7D00  }
0x62: {  	[sflag:s7] =	ssyncset.done $0x0  }
0x63: {  	[sflag:s7] =	ssyncadd.s32 $0xFFFF8300  }
0x64: {  	[spmem:s2] =	stream.indirect.scatter.add.f32 [tilespmem:s15], [sflag:$0x1], $0x20, s4, s15, $0xb8;
	[tilespmem:$0x13498] =	vst v63  }
0x65: {  	_ =	swait.ge [sflag:s7], $0x7D00  }
0x66: {  	[sflag:s7] =	ssyncset.done $0x0  }
0x67: {  	[sflag:s7] =	ssyncadd.s32 $0xFFFF8300  }
0x68: {  	[spmem:s3] =	stream.indirect.scatter.add.f32 [tilespmem:s12], [sflag:$0x1], $0x10, s4, s15, $0xb8;
	[tilespmem:$0x13498] =	vst v63  }
0x69: {  	_ =	swait.ge [sflag:s7], $0x3E80  }
0x6a: {  	[sflag:s7] =	ssyncset.done $0x0  }
0x6b: {  	[sflag:s7] =	ssyncadd.s32 $0xFFFFC180  }
0x6c: {  	[tilespmem:s4], [sflag:$0x1] =	stream.linear.gather [hbm4b:s16+s4], $0x3E8, $0x38;
	[tilespmem:$0x13498] =	vst v63  }
0x6d: {  	_ =	swait.ge [sflag:s7], $0x3E8  }
0x6e: {  	[sflag:s7] =	ssyncset.done $0x0  }
0x6f: {  	[sflag:s7] =	ssyncadd.s32 $0xFFFFFC18  }
0x70: {  	[tilespmem:s15], [sflag:$0x1] =	stream.linear.gather [hbm4b:s17+s4], $0x7D00, $0x38;
	[tilespmem:$0x13498] =	vst v63  }
0x71: {  	_ =	swait.ge [sflag:s7], $0x7D00  }
0x72: {  	[sflag:s7] =	ssyncset.done $0x0  }
0x73: {  	[sflag:s7] =	ssyncadd.s32 $0xFFFF8300  }
0x74: {  	[spmem:s2] =	stream.indirect.scatter.add.f32 [tilespmem:s15], [sflag:$0x1], $0x20, s4, s15, $0xb8;
	[tilespmem:$0x13498] =	vst v63  }
0x75: {  	_ =	swait.ge [sflag:s7], $0x7D00  }
0x76: {  	[sflag:s7] =	ssyncset.done $0x0  }
0x77: {  	[sflag:s7] =	ssyncadd.s32 $0xFFFF8300  }
0x78: {  	[spmem:s3] =	stream.indirect.scatter.add.f32 [tilespmem:s12], [sflag:$0x1], $0x10, s4, s15, $0xb8;
	[tilespmem:$0x13498] =	vst v63  }
0x79: {  	_ =	swait.ge [sflag:s7], $0x3E80  }
0x7a: {  	[sflag:s7] =	ssyncset.done $0x0  }
0x7b: {  	[sflag:s7] =	ssyncadd.s32 $0xFFFFC180  }
0x7c: {  	[tilespmem:s4], [sflag:$0x1] =	stream.linear.gather [hbm4b:s18+s4], $0x3E8, $0x38;
	[tilespmem:$0x13498] =	vst v63  }
0x7d: {  	_ =	swait.ge [sflag:s7], $0x3E8  }
0x7e: {  	[sflag:s7] =	ssyncset.done $0x0  }
0x7f: {  	[sflag:s7] =	ssyncadd.s32 $0xFFFFFC18  }
0x80: {  	[tilespmem:s15], [sflag:$0x1] =	stream.linear.gather [hbm4b:s19+s4], $0x7D00, $0x38;
	[tilespmem:$0x13498] =	vst v63  }
0x81: {  	_ =	swait.ge [sflag:s7], $0x7D00  }
0x82: {  	[sflag:s7] =	ssyncset.done $0x0  }
0x83: {  	[sflag:s7] =	ssyncadd.s32 $0xFFFF8300  }
0x84: {  	[spmem:s2] =	stream.indirect.scatter.add.f32 [tilespmem:s15], [sflag:$0x1], $0x20, s4, s15, $0xb8;
	[tilespmem:$0x13498] =	vst v63  }
0x85: {  	_ =	swait.ge [sflag:s7], $0x7D00  }
0x86: {  	[sflag:s7] =	ssyncset.done $0x0  }
0x87: {  	[sflag:s7] =	ssyncadd.s32 $0xFFFF8300  }
0x88: {  	[spmem:s3] =	stream.indirect.scatter.add.f32 [tilespmem:s12], [sflag:$0x1], $0x10, s4, s15, $0xb8;
	[tilespmem:$0x13498] =	vst v63  }
0x89: {  	_ =	swait.ge [sflag:s7], $0x3E80  }
0x8a: {  	[sflag:s7] =	ssyncset.done $0x0  }
0x8b: {  	[sflag:s7] =	ssyncadd.s32 $0xFFFFC180  }
0x8c: {  	[bflag:$0x0] =	sbarrier.arrive $0xFFFF  }
0x8d: {  	[hbm:s20], [sflag:s6] =	dma.local [spmem:s8], $0x9C4  }
0x8e: {  	_ =	swait.ge [sflag:s7], $0x9C4  }
.Ltmp1:
0x8f: {  	[sflag:s7] =	ssyncset.done $0x0;
	(pc) =	sbr.rel @p0 .LBB2_1-.Ltmp1, $4  }
0x90: {  	[sflag:s7] =	ssyncadd.s32 $0xFFFFF63C  }
0x91: {  	[hbm:s21], [sflag:s6] =	dma.local [spmem:s10], $0x4E2  }
0x92: {  	_ =	swait.ge [sflag:s7], $0x4E2  }
0x93: {  	[sflag:s7] =	ssyncset.done $0x0  }
.LBB2_2:
0x94: {  	[sflag:s7] =	ssyncadd.s32 $0xFFFFFB1E  }
0x95: {  	_ =	sfence.sel $0x180000  }
0x96: {  	[bflag:$0x0] =	sbarrier.arrive $0xFFFF  }
0x97: {  	p0 =	sne.s32 s0, $0x0;
	_ =	strace $0x9000004D  }
0x98: {  	s0 =	sadd.s32 @!p0 $0x100000, s1;
	[bflag:$0x2] =	sbarrier.arrive $0xFFFF  }
0x99: {  	[sflag:s0] =	ssyncadd.tile.s32 @!p0 $0x1;
	_ =	shalt  }
.Lfunc_end2:
_tile_overlayer_lowered:
.L_overlay_start_2:
0x9a: {  	(tag) =	ssettag $0x2  }
0x9b: {  	s0 =	rddreg [dreg:$0x0];
	s2 =	stileid.u32  }
0x9c: {  	s1 =	rddreg [dreg:$0x1];
	p0 =	sne.s32 s2, $0x0  }
0x9d: {  	s3 =	rddreg [dreg:$0x2];
	[bflag:$0x3] =	sbarrier.arrive $0xFFFF;
	s2 =	simm.s32 @!p0 $0x1C01  }
0x9e: {  	[timem:s3], [sflag:s2] =	dma.local @!p0 [hbm:s0], s1  }
0x9f: {  	s0 =	simm.s32 @!p0 $0x1  }
0xa0: {  	_ =	swait.ge @!p0 [sflag:s0], s1  }
0xa1: {  	s1 =	ssub.s32 @!p0 $0x0, s1;
	[sflag:s0] =	ssyncset.done @!p0 $0x0  }
0xa2: {  	[sflag:s0] =	ssyncadd.s32 @!p0 s1  }
0xa3: {  	[bflag:$0x3] =	sbarrier.arrive $0xFFFF  }
0xa4: {  	_ =	shalt  }

// kernel: kernel.15.cloned.1.call-start
scs
__scs_entry_jumppad:
0x0: {  	(pc) =	sbr.rel $0x88, $3  }
0x1: {  	(tag) =	ssettag $0x0;
	lr =	simm.s32 $0x1  }
0x2: {  	[smem:$0x3F99] =	sst lr;
	_ =	strace $0xD0000000  }
0x3: {  	_ = 	snop  }
0x4: {  	_ = 	snop  }
0x5: {  	_ = 	snop  }
0x6: {  	_ = 	snop  }
0x7: {  	_ = 	snop  }
__scs_overlays_trampoline_lowered:
0x8: {  	[smem:$0x3FA8] =	sst s0  }
0x9: {  	[smem:$0x3FA9] =	sst s1  }
0xa: {  	[smem:$0x3FAA] =	sst s2  }
0xb: {  	[smem:$0x3FAB] =	sst s3  }
0xc: {  	[smem:$0x3FAC] =	sst s4  }
0xd: {  	[smem:$0x3FAD] =	sst s5  }
0xe: {  	[smem:$0x3FAE] =	sst s6  }
0xf: {  	[smem:$0x3FAF] =	sst s7  }
0x10: {  	[smem:$0x3FB0] =	sst s8  }
0x11: {  	[smem:$0x3FB1] =	sst s9;
	s0 =	simm.s32 @!p0 $0x0  }
0x12: {  	s1 =	sld [smem:$0x3F97];
	s0 =	simm.s32 @p0 $0x1  }
0x13: {  	[smem:$0x3FB2] =	sst s0;
	s0 =	simm.s32 @!p1 $0x0  }
0x14: {  	s2 =	sld [smem:$0x3F96];
	s0 =	simm.s32 @p1 $0x1  }
0x15: {  	[smem:$0x3FB3] =	sst s0;
	s0 =	simm.s32 @!p2 $0x0  }
0x16: {  	s3 =	sld [smem:$0x3FDB];
	s0 =	simm.s32 @p2 $0x1  }
0x17: {  	s4 =	simm.s32 $0x1BF5;
	[smem:$0x3FB5] =	sst s0  }
0x18: {  	s0 =	sld [smem:$0x3F98];
	_ =	swait.ge [sflag:s4], $0x0  }
0x19: {  	s7 =	sld [smem:$0x3F99]  }
0x1a: {  	s8 =	sadd.s32 $0xFFFFE003, lr  }
0x1b: {  	s9 =	sadd.s32 $0xFFFFFEF7, lr;
	s5 =	simm.s32 $0xFFFFFFFF;
	p2 =	slt.u32 s8, $0xFFFFF086  }
0x1c: {  	p1 =	slt.u32 s9, $0xF7A;
	s5 =	simm.s32 @!p2 $0x0  }
0x1d: {  	s5 =	simm.s32 @p1 $0x1;
	p0 =	seq.s32 s7, s2  }
0x1e: {  	s7 =	smul.u32 @!p0 $0xF7A, s2;
	p2 =	seq.s32 @!p0 s5, $0x0  }
0x1f: {  	s9 =	smul.u32 $0xF7A, s1;
	s8 =	simm.s32 @!p0 $0x1BF5;
	p2 =	por !p2, p0  }
0x20: {  	[sflag:s8] =	ssyncset.s32 @!p0 $0xFFFFF086;
	s6 =	sadd.s32 @!p0 s3, s7;
	s7 =	simm.s32 @!p0 $0x108  }
0x21: {  	s3 =	sadd.s32 s3, s9;
	s6 =	sadd.s32 @!p0 $0x88, s6;
	s7 =	simm.s32 @p2 $0x1082  }
0x22: {  	[simem:s7], [sflag:s8] =	dma.local @!p0 [hbm:s6], $0xF7A  }
0x23: {  	s9 =	sor.u32 $0xD0000000, s2;
	s6 =	simm.s32 $0x108;
	_ =	swait.ge @!p0 [sflag:s8], $0x0  }
0x24: {  	s3 =	sadd.s32 $0x88, s3;
	s6 =	simm.s32 @!p1 $0x1082;
	[sflag:s4] =	ssyncset.s32 $0xFFFFF086  }
0x25: {  	[simem:s6], [sflag:s4] =	dma.local [hbm:s3], $0xF7A  }
0x26: {  	[smem:$0x3F99] =	sst s1;
	(tag) =	ssettag s2;
	_ =	strace s9  }
0x27: {  	s1 =	sld [smem:$0x3FA9]  }
0x28: {  	s2 =	sld [smem:$0x3FAA]  }
0x29: {  	s4 =	sld [smem:$0x3FAC]  }
0x2a: {  	p0 =	seq.s32 s5, $0x0;
	s5 =	sld [smem:$0x3FAD]  }
0x2b: {  	s6 =	sld [smem:$0x3FAE]  }
0x2c: {  	s7 =	sld [smem:$0x3FAF]  }
0x2d: {  	s3 =	simm.s32 $0x108;
	s8 =	sld [smem:$0x3FB0]  }
0x2e: {  	s3 =	simm.s32 @!p0 $0x1082;
	s9 =	sld [smem:$0x3FB1]  }
0x2f: {  	lr =	sadd.s32 s0, s3;
	s0 =	sld [smem:$0x3FA8]  }
0x30: {  	s3 =	sld [smem:$0x3FAB]  }
0x31: {  	[smem:$0x3FB4] =	sst s10  }
0x32: {  	s10 =	sld [smem:$0x3FB2];
	_ =	sdelay $0x3  }
0x33: {  	p0 =	seq.s32 s10, $0x1;
	s10 =	sld [smem:$0x3FB4];
	_ =	sdelay $0x3  }
0x34: {  	[smem:$0x3FB4] =	sst s10  }
0x35: {  	s10 =	sld [smem:$0x3FB3];
	_ =	sdelay $0x3  }
0x36: {  	p1 =	seq.s32 s10, $0x1;
	s10 =	sld [smem:$0x3FB4];
	_ =	sdelay $0x3  }
0x37: {  	[smem:$0x3FB4] =	sst s10  }
0x38: {  	s10 =	sld [smem:$0x3FB5]  }
0x39: {  	_ = 	snop;
	(pc) =	sbr.ind lr, $3  }
0x3a: {  	_ = 	snop  }
0x3b: {  	_ = 	snop  }
0x3c: {  	p2 =	seq.s32 s10, $0x1;
	s10 =	sld [smem:$0x3FB4]  }
0x3d: {  	_ =	shalt  }
0x3e: {  	_ =	shalt  }
0x3f: {  	_ =	shalt  }
0x40: {  	_ =	shalt  }
0x41: {  	_ =	shalt  }
0x42: {  	_ =	shalt  }
0x43: {  	_ =	shalt  }
0x44: {  	_ =	shalt  }
0x45: {  	_ =	shalt  }
0x46: {  	_ =	shalt  }
0x47: {  	_ =	shalt  }
0x48: {  	_ =	shalt  }
0x49: {  	_ =	shalt  }
0x4a: {  	_ =	shalt  }
0x4b: {  	_ =	shalt  }
0x4c: {  	_ =	shalt  }
0x4d: {  	_ =	shalt  }
0x4e: {  	_ =	shalt  }
0x4f: {  	_ =	shalt  }
0x50: {  	_ =	shalt  }
0x51: {  	_ =	shalt  }
0x52: {  	_ =	shalt  }
0x53: {  	_ =	shalt  }
0x54: {  	_ =	shalt  }
0x55: {  	_ =	shalt  }
0x56: {  	_ =	shalt  }
0x57: {  	_ =	shalt  }
0x58: {  	_ =	shalt  }
0x59: {  	_ =	shalt  }
0x5a: {  	_ =	shalt  }
0x5b: {  	_ =	shalt  }
0x5c: {  	_ =	shalt  }
0x5d: {  	_ =	shalt  }
0x5e: {  	_ =	shalt  }
0x5f: {  	_ =	shalt  }
0x60: {  	_ =	shalt  }
0x61: {  	_ =	shalt  }
0x62: {  	_ =	shalt  }
0x63: {  	_ =	shalt  }
0x64: {  	_ =	shalt  }
0x65: {  	_ =	shalt  }
0x66: {  	_ =	shalt  }
0x67: {  	_ =	shalt  }
0x68: {  	_ =	shalt  }
0x69: {  	_ =	shalt  }
0x6a: {  	_ =	shalt  }
0x6b: {  	_ =	shalt  }
0x6c: {  	_ =	shalt  }
0x6d: {  	_ =	shalt  }
0x6e: {  	_ =	shalt  }
0x6f: {  	_ =	shalt  }
0x70: {  	_ =	shalt  }
0x71: {  	_ =	shalt  }
0x72: {  	_ =	shalt  }
0x73: {  	_ =	shalt  }
0x74: {  	_ =	shalt  }
0x75: {  	_ =	shalt  }
0x76: {  	_ =	shalt  }
0x77: {  	_ =	shalt  }
0x78: {  	_ =	shalt  }
0x79: {  	_ =	shalt  }
0x7a: {  	_ =	shalt  }
0x7b: {  	_ =	shalt  }
0x7c: {  	_ =	shalt  }
0x7d: {  	_ =	shalt  }
0x7e: {  	_ =	shalt  }
0x7f: {  	_ =	shalt  }
0x80: {  	_ =	shalt  }
0x81: {  	_ =	shalt  }
0x82: {  	_ =	shalt  }
0x83: {  	_ =	shalt  }
0x84: {  	_ =	shalt  }
0x85: {  	_ =	shalt  }
0x86: {  	_ =	shalt  }
0x87: {  	_ =	shalt  }
.Lfunc_end0:
.L_simem_size_0:
called_computation.2_lowered:
.L_overlay_start_0:
0x88: {  	s2 =	sld [smem:$0x3FD9]  }
0x89: {  	s3 =	sld [smem:$0x3FFE];
	_ =	sdelay $0x1  }
0x8a: {  	s1 =	srdreg.scid  }
0x8b: {  	s0 =	sand.u32 $0x1, s1  }
0x8c: {  	s17 =	sshll.u32 s0, $0xA;
	s2 =	sadd.s32 s3, s2  }
0x8d: {  	s2 =	sadd.s32 s2, s17  }
0x8e: {  	[smem:$0x3FC0] =	sst s2  }
0x8f: {  	_ = 	snop  }
0x90: {  	s18 =	sld [smem:$0x3FD0];
	(tm) =	ssettm $0x1  }
0x91: {  	s19 =	sld [smem:$0x3FFB];
	_ =	sdelay $0x3  }
0x92: {  	_ =	strace s19  }
0x93: {  	s2 =	sld [smem:$0x3FFC];
	_ =	sdelay $0x3  }
0x94: {  	_ =	strace s2  }
0x95: {  	s2 =	sld [smem:$0x3FFD];
	_ =	sdelay $0x3  }
0x96: {  	_ =	strace s2  }
0x97: {  	_ =	strace $0x8FFFFFFF  }
0x98: {  	s20 =	sld [smem:$0x3FDB];
	_ =	sdelay $0x1  }
0x99: {  	s4 =	simm.s32 $_scs_section_size  }
0x9a: {  	s5 =	simm.s32 $_size__tile_overlayer_lowered;
	s6 =	simm.s32 $_tile_overlayer_lowered  }
0x9b: {  	s7 =	simm.s32 $0x1BFF;
	s21 =	sshll.u32 s6, $0x1;
	s4 =	sadd.s32 s4, s20  }
0x9c: {  	s22 =	simm.s32 $0x0;
	s5 =	sshll.u32 s5, $0x1;
	s6 =	sadd.s32 s21, s4  }
0x9d: {  	[timem:s22], [sflag:s7] =	dma.local [hbm:s6], s5  }
0x9e: {  	_ =	swait.ge [sflag:s7], s5  }
0x9f: {  	s5 =	ssub.s32 $0x0, s5;
	[sflag:s7] =	ssyncset.done $0x0  }
0xa0: {  	[sflag:s7] =	ssyncadd.s32 s5;
	_ =	sdelay $0x1  }
0xa1: {  	s23 =	simm.s32 $0x1B8B  }
0xa2: {  	_ =	swait.ge [sflag:s23], $0x1  }
0xa3: {  	[sflag:s23] =	ssyncset.done $0x0  }
0xa4: {  	[sflag:s23] =	ssyncadd.s32 $0xFFFFFFFF  }
0xa5: {  	s5 =	sld [smem:$0x0]  }
0xa6: {  	s6 =	sand.u32 $0xFFFFFFFE, s1  }
0xa7: {  	p0 =	sne.s32 s1, s6  }
0xa8: {  	s6 =	sshll.u32 @p0 s6, $0xE  }
0xa9: {  	s6 =	sadd.s32 @p0 $0x11B8D, s6;
	s7 =	sshll.u32 @p0 s5, $0x11  }
0xaa: {  	s6 =	sor.u32 @p0 s7, s6  }
0xab: {  	[sflag:s6] =	ssyncadd.remote.s32 @p0 $0x1;
	_ =	sdelay $0x1  }
0xac: {  	s6 =	simm.s32 @p0 $0x1B8D  }
0xad: {  	_ =	swait.eq @p0 [sflag:s6], $0x1  }
0xae: {  	[sflag:s6] =	ssyncadd.s32 @p0 $0xFFFFFFFF  }
0xaf: {  	s7 =	sshll.u32 @!p0 s1, $0xE  }
0xb0: {  	s7 =	sor.u32 @!p0 $0x4000, s7;
	s6 =	simm.s32 @!p0 $0x1B8D  }
0xb1: {  	s5 =	sshll.u32 @!p0 s5, $0x11;
	s7 =	sadd.s32 @!p0 $0x11B8D, s7;
	_ =	swait.eq @!p0 [sflag:s6], $0x1  }
0xb2: {  	s5 =	sor.u32 @!p0 s5, s7;
	[sflag:s6] =	ssyncadd.s32 @!p0 $0xFFFFFFFF  }
0xb3: {  	s25 =	simm.s32 $0x1B8E;
	s24 =	sld [smem:$0x3FFE];
	[sflag:s5] =	ssyncadd.remote.s32 @!p0 $0x1  }
0xb4: {  	s26 =	simm.s32 $execute0_lowered;
	[smem:$0x3FD2] =	sst s25  }
0xb5: {  	s6 =	sshll.u32 s26, $0x1;
	_ =	strace $0x80000049;
	[dreg:$0x1] =	wrdreg $0xFFFFFFFF  }
0xb6: {  	s28 =	simm.s32 $_size_execute0_lowered;
	s4 =	sadd.s32 s4, s6;
	[dreg:$0x0] =	wrdreg $0x0  }
0xb7: {  	s6 =	sshll.u32 s28, $0x1;
	[dreg:$0x2] =	wrdreg s4  }
0xb8: {  	[dreg:$0x3] =	wrdreg s6  }
0xb9: {  	[dreg:$0x4] =	wrdreg $0xC0  }
0xba: {  	_ =	task [dreg:s22], $0x5FFFF  }
0xbb: {  	[dreg:$0x1] =	wrdreg $0xFFFFFFFF  }
0xbc: {  	[dreg:$0x0] =	wrdreg $0x60  }
0xbd: {  	[dreg:$0x2] =	wrdreg s18  }
0xbe: {  	[dreg:$0x3] =	wrdreg s24  }
0xbf: {  	[dreg:$0x4] =	wrdreg $0xA  }
0xc0: {  	_ =	task.clear_ibuf [dreg:s22], $0x5FFFF;
	_ =	strace $0x90000049  }
0xc1: {  	s29 =	simm.s32 $0xA;
	_ =	strace $0x8000004B  }
0xc2: {  	_ =	swait.ge [sflag:s29], $0x1  }
0xc3: {  	[sflag:s29] =	ssyncadd.s32 $0xFFFFFFFF  }
0xc4: {  	_ =	strace $0x9000004B  }
0xc5: {  	_ =	sfence  }
0xc6: {  	s30 =	sld [smem:$0x0];
	_ =	sdelay $0x2  }
0xc7: {  	s31 =	sshll.u32 s1, $0xD;
	s1 =	sshrl.u32 s1, $0x2  }
0xc8: {  	s4 =	sand.u32 $0x4000, s31;
	s1 =	sadd.s32 s1, s30  }
0xc9: {  	s0 =	sor.u32 s4, s0;
	s1 =	sshll.u32 s1, $0x11  }
0xca: {  	s0 =	sor.u32 s1, s0  }
0xcb: {  	s0 =	sadd.s32 $0x8F2B, s0  }
0xcc: {  	[sflag:s0] =	ssyncadd.remote.s32 $0x1  }
0xcd: {  	_ =	sfence.sel $0xFFFF  }
0xce: {  	[dreg:$0x0] =	wrdreg $0xFFFFFFFF;
	(pc) =	sbr.abs _section_cstart, $3  }
0xcf: {  	[dreg:$0x1] =	wrdreg $0xFFFFFFFF  }
0xd0: {  	_ =	task.clear_ibuf [dreg:s22], $0x2FFFF;
	_ =	strace $0x9FFFFFFF  }
0xd1: {  	(tm) =	ssettm $0x7FFFFFFF  }
tec
execute0_lowered:
.L_overlay_start_1:
0x0: {  	(tag) =	ssettag $0x1  }
0x1: {  	s1 =	srdreg.scid;
	s0 =	stileid.u32  }
0x2: {  	s10 =	sand.u32 $0x1, s1;
	s28 =	sshll.u32 s0, $0x1  }
0x3: {  	s11 =	sor.u32 s10, s28  }
0x4: {  	s2 =	rddreg [dreg:$0x0];
	s9 =	smul.u32 $0x7D0, s11  }
0x5: {  	s8 =	rddreg [dreg:$0x1];
	s3 =	simm.s32 $0x0  }
0x6: {  	s1 =	rddreg [dreg:$0x2];
	s12 =	sadd.s32 $0x2B000, s8;
	s4 =	sshrl.u32 s9, $0x3  }
0x7: {  	[smem:$0x7FF] =	sst s3;
	s4 =	sadd.s32 s12, s4  }
0x8: {  	_ =	strace $0x8000004A;
	s5 =	sadd.s32 $0x7D00, s4;
	s4 =	simm.s32 $0x2  }
0x9: {  	[tilespmem:s3], [sflag:$0x2] =	stream.linear.gather [hbm4b:s5+s3], $0x3E8, $0x38;
	[tilespmem:$0x80E8] =	vst v63  }
0xa: {  	_ =	swait.ge [sflag:s4], $0x3E8  }
0xb: {  	[sflag:s4] =	ssyncset.done $0x0  }
0xc: {  	s6 =	simm.s32 $0x3E8;
	s7 =	simm.s32 $0x1;
	[sflag:s4] =	ssyncadd.s32 $0xFFFFFC18  }
0xd: {  	[tilespmem:s6], [sflag:$0x1] =	stream.indirect.gather [hbm4b:s2+s6], $0x20, s3, s6, $0xb8;
	[tilespmem:$0x80E8] =	vst v63  }
0xe: {  	s13 =	smul.u32 $0x1F40, s11;
	_ =	swait.ge [sflag:s7], $0x7D00  }
0xf: {  	s14 =	sadd.s32 $0x92A00, s8;
	[sflag:s7] =	ssyncset.done $0x0  }
0x10: {  	s8 =	sadd.s32 s14, s13;
	[sflag:s7] =	ssyncadd.s32 $0xFFFF8300  }
0x11: {  	[hbm4b:s8+s3] =	stream.linear.scatter [tilespmem:s6], [sflag:$0x2], $0x7D00, $0x38;
	[tilespmem:$0x80E8] =	vst v63  }
0x12: {  	s9 =	sadd.s32 $0x3EBE8, s9;
	_ =	swait.ge [sflag:s4], $0x7D00  }
0x13: {  	s9 =	sshrl.u32 s9, $0x3;
	[sflag:s4] =	ssyncset.done $0x0  }
0x14: {  	s10 =	ssub.s32 $0x2, s10;
	s9 =	sadd.s32 s12, s9;
	[sflag:s4] =	ssyncadd.s32 $0xFFFF8300  }
0x15: {  	[tilespmem:s3], [sflag:$0x2] =	stream.linear.gather [hbm4b:s9+s3], $0x3E8, $0x38;
	[tilespmem:$0x80E8] =	vst v63  }
0x16: {  	s29 =	sshrl.u32 s10, $0x1;
	_ =	swait.ge [sflag:s4], $0x3E8  }
0x17: {  	s12 =	ssub.s32 s10, s29;
	[sflag:s4] =	ssyncset.done $0x0  }
0x18: {  	s11 =	smul.u32 $0xFA00, s11;
	s31 =	smax.u32 s12, $0x1;
	[sflag:s4] =	ssyncadd.s32 $0xFFFFFC18  }
0x19: {  	[tilespmem:s6], [sflag:$0x1] =	stream.indirect.gather [hbm4b:s2+s6], $0x20, s3, s6, $0xb8;
	[tilespmem:$0x80E8] =	vst v63  }
0x1a: {  	s11 =	sshrl.u32 s11, $0x3;
	p0 =	sne.s32 s31, $0x1;
	_ =	swait.ge [sflag:s7], $0x7D00  }
.Ltmp0:
0x1b: {  	s30 =	sadd.s32 s14, s11;
	[sflag:s7] =	ssyncset.done $0x0;
	(pc) =	sbr.rel @!p0 .LBB2_2-.Ltmp0, $4  }
0x1c: {  	s10 =	sadd.s32 $0xFA0, s30;
	[sflag:s7] =	ssyncadd.s32 $0xFFFF8300  }
0x1d: {  	[hbm4b:s10+s3] =	stream.linear.scatter [tilespmem:s6], [sflag:$0x2], $0x7D00, $0x38;
	[tilespmem:$0x80E8] =	vst v63  }
0x1e: {  	_ =	swait.ge [sflag:s4], $0x7D00  }
0x1f: {  	s11 =	sadd.s32 $0xFFFFFFFF, s31;
	[sflag:s4] =	ssyncset.done $0x0  }
.LBB2_1:
0x20: {  	p0 =	sne.s32 s11, $0x1;
	s11 =	sadd.s32 $0xFFFFFFFF, s11;
	[sflag:s4] =	ssyncadd.s32 $0xFFFF8300  }
0x21: {  	[tilespmem:s3], [sflag:$0x2] =	stream.linear.gather [hbm4b:s5+s3], $0x3E8, $0x38;
	[tilespmem:$0x80E8] =	vst v63  }
0x22: {  	_ =	swait.ge [sflag:s4], $0x3E8  }
0x23: {  	[sflag:s4] =	ssyncset.done $0x0  }
0x24: {  	[sflag:s4] =	ssyncadd.s32 $0xFFFFFC18  }
0x25: {  	[tilespmem:s6], [sflag:$0x1] =	stream.indirect.gather [hbm4b:s2+s6], $0x20, s3, s6, $0xb8;
	[tilespmem:$0x80E8] =	vst v63  }
0x26: {  	_ =	swait.ge [sflag:s7], $0x7D00  }
0x27: {  	[sflag:s7] =	ssyncset.done $0x0  }
0x28: {  	[sflag:s7] =	ssyncadd.s32 $0xFFFF8300  }
0x29: {  	[hbm4b:s8+s3] =	stream.linear.scatter [tilespmem:s6], [sflag:$0x2], $0x7D00, $0x38;
	[tilespmem:$0x80E8] =	vst v63  }
0x2a: {  	_ =	swait.ge [sflag:s4], $0x7D00  }
0x2b: {  	[sflag:s4] =	ssyncset.done $0x0  }
0x2c: {  	[sflag:s4] =	ssyncadd.s32 $0xFFFF8300  }
0x2d: {  	[tilespmem:s3], [sflag:$0x2] =	stream.linear.gather [hbm4b:s9+s3], $0x3E8, $0x38;
	[tilespmem:$0x80E8] =	vst v63  }
0x2e: {  	_ =	swait.ge [sflag:s4], $0x3E8  }
0x2f: {  	[sflag:s4] =	ssyncset.done $0x0  }
0x30: {  	[sflag:s4] =	ssyncadd.s32 $0xFFFFFC18  }
0x31: {  	[tilespmem:s6], [sflag:$0x1] =	stream.indirect.gather [hbm4b:s2+s6], $0x20, s3, s6, $0xb8;
	[tilespmem:$0x80E8] =	vst v63  }
0x32: {  	_ =	swait.ge [sflag:s7], $0x7D00  }
.Ltmp1:
0x33: {  	[sflag:s7] =	ssyncset.done $0x0;
	(pc) =	sbr.rel @p0 .LBB2_1-.Ltmp1, $4  }
0x34: {  	[sflag:s7] =	ssyncadd.s32 $0xFFFF8300  }
0x35: {  	[hbm4b:s10+s3] =	stream.linear.scatter [tilespmem:s6], [sflag:$0x2], $0x7D00, $0x38;
	[tilespmem:$0x80E8] =	vst v63  }
0x36: {  	_ =	swait.ge [sflag:s4], $0x7D00  }
0x37: {  	[sflag:s4] =	ssyncset.done $0x0  }
.LBB2_2:
0x38: {  	[sflag:s4] =	ssyncadd.s32 $0xFFFF8300  }
0x39: {  	_ =	sfence.sel $0x180000  }
0x3a: {  	[bflag:$0x0] =	sbarrier.arrive $0xFFFF  }
0x3b: {  	p0 =	sne.s32 s0, $0x0;
	_ =	strace $0x9000004A  }
0x3c: {  	s0 =	sadd.s32 @!p0 $0x100000, s1;
	[bflag:$0x2] =	sbarrier.arrive $0xFFFF  }
0x3d: {  	[sflag:s0] =	ssyncadd.tile.s32 @!p0 $0x1;
	_ =	shalt  }
.Lfunc_end2:
_tile_overlayer_lowered:
.L_overlay_start_2:
0x3e: {  	(tag) =	ssettag $0x2  }
0x3f: {  	s0 =	rddreg [dreg:$0x0];
	s2 =	stileid.u32  }
0x40: {  	s1 =	rddreg [dreg:$0x1];
	p0 =	sne.s32 s2, $0x0  }
0x41: {  	s3 =	rddreg [dreg:$0x2];
	[bflag:$0x3] =	sbarrier.arrive $0xFFFF;
	s2 =	simm.s32 @!p0 $0x1C02  }
0x42: {  	[timem:s3], [sflag:s2] =	dma.local @!p0 [hbm:s0], s1  }
0x43: {  	s0 =	simm.s32 @!p0 $0x2  }
0x44: {  	_ =	swait.ge @!p0 [sflag:s0], s1  }
0x45: {  	s1 =	ssub.s32 @!p0 $0x0, s1;
	[sflag:s0] =	ssyncset.done @!p0 $0x0  }
0x46: {  	[sflag:s0] =	ssyncadd.s32 @!p0 s1  }
0x47: {  	[bflag:$0x3] =	sbarrier.arrive $0xFFFF  }
0x48: {  	_ =	shalt  }

// kernel: kernel.18.cloned.1.call-start
scs
__scs_entry_jumppad:
0x0: {  	(pc) =	sbr.rel $0x88, $3  }
0x1: {  	(tag) =	ssettag $0x0;
	lr =	simm.s32 $0x1  }
0x2: {  	[smem:$0x3F99] =	sst lr;
	_ =	strace $0xD0000000  }
0x3: {  	_ = 	snop  }
0x4: {  	_ = 	snop  }
0x5: {  	_ = 	snop  }
0x6: {  	_ = 	snop  }
0x7: {  	_ = 	snop  }
__scs_overlays_trampoline_lowered:
0x8: {  	[smem:$0x3FA8] =	sst s0  }
0x9: {  	[smem:$0x3FA9] =	sst s1  }
0xa: {  	[smem:$0x3FAA] =	sst s2  }
0xb: {  	[smem:$0x3FAB] =	sst s3  }
0xc: {  	[smem:$0x3FAC] =	sst s4  }
0xd: {  	[smem:$0x3FAD] =	sst s5  }
0xe: {  	[smem:$0x3FAE] =	sst s6  }
0xf: {  	[smem:$0x3FAF] =	sst s7  }
0x10: {  	[smem:$0x3FB0] =	sst s8  }
0x11: {  	[smem:$0x3FB1] =	sst s9;
	s0 =	simm.s32 @!p0 $0x0  }
0x12: {  	s1 =	sld [smem:$0x3F97];
	s0 =	simm.s32 @p0 $0x1  }
0x13: {  	[smem:$0x3FB2] =	sst s0;
	s0 =	simm.s32 @!p1 $0x0  }
0x14: {  	s2 =	sld [smem:$0x3F96];
	s0 =	simm.s32 @p1 $0x1  }
0x15: {  	[smem:$0x3FB3] =	sst s0;
	s0 =	simm.s32 @!p2 $0x0  }
0x16: {  	s3 =	sld [smem:$0x3FDB];
	s0 =	simm.s32 @p2 $0x1  }
0x17: {  	s4 =	simm.s32 $0x1BF5;
	[smem:$0x3FB5] =	sst s0  }
0x18: {  	s0 =	sld [smem:$0x3F98];
	_ =	swait.ge [sflag:s4], $0x0  }
0x19: {  	s7 =	sld [smem:$0x3F99]  }
0x1a: {  	s8 =	sadd.s32 $0xFFFFE003, lr  }
0x1b: {  	s9 =	sadd.s32 $0xFFFFFEF7, lr;
	s5 =	simm.s32 $0xFFFFFFFF;
	p2 =	slt.u32 s8, $0xFFFFF086  }
0x1c: {  	p1 =	slt.u32 s9, $0xF7A;
	s5 =	simm.s32 @!p2 $0x0  }
0x1d: {  	s5 =	simm.s32 @p1 $0x1;
	p0 =	seq.s32 s7, s2  }
0x1e: {  	s7 =	smul.u32 @!p0 $0xF7A, s2;
	p2 =	seq.s32 @!p0 s5, $0x0  }
0x1f: {  	s9 =	smul.u32 $0xF7A, s1;
	s8 =	simm.s32 @!p0 $0x1BF5;
	p2 =	por !p2, p0  }
0x20: {  	[sflag:s8] =	ssyncset.s32 @!p0 $0xFFFFF086;
	s6 =	sadd.s32 @!p0 s3, s7;
	s7 =	simm.s32 @!p0 $0x108  }
0x21: {  	s3 =	sadd.s32 s3, s9;
	s6 =	sadd.s32 @!p0 $0x88, s6;
	s7 =	simm.s32 @p2 $0x1082  }
0x22: {  	[simem:s7], [sflag:s8] =	dma.local @!p0 [hbm:s6], $0xF7A  }
0x23: {  	s9 =	sor.u32 $0xD0000000, s2;
	s6 =	simm.s32 $0x108;
	_ =	swait.ge @!p0 [sflag:s8], $0x0  }
0x24: {  	s3 =	sadd.s32 $0x88, s3;
	s6 =	simm.s32 @!p1 $0x1082;
	[sflag:s4] =	ssyncset.s32 $0xFFFFF086  }
0x25: {  	[simem:s6], [sflag:s4] =	dma.local [hbm:s3], $0xF7A  }
0x26: {  	[smem:$0x3F99] =	sst s1;
	(tag) =	ssettag s2;
	_ =	strace s9  }
0x27: {  	s1 =	sld [smem:$0x3FA9]  }
0x28: {  	s2 =	sld [smem:$0x3FAA]  }
0x29: {  	s4 =	sld [smem:$0x3FAC]  }
0x2a: {  	p0 =	seq.s32 s5, $0x0;
	s5 =	sld [smem:$0x3FAD]  }
0x2b: {  	s6 =	sld [smem:$0x3FAE]  }
0x2c: {  	s7 =	sld [smem:$0x3FAF]  }
0x2d: {  	s3 =	simm.s32 $0x108;
	s8 =	sld [smem:$0x3FB0]  }
0x2e: {  	s3 =	simm.s32 @!p0 $0x1082;
	s9 =	sld [smem:$0x3FB1]  }
0x2f: {  	lr =	sadd.s32 s0, s3;
	s0 =	sld [smem:$0x3FA8]  }
0x30: {  	s3 =	sld [smem:$0x3FAB]  }
0x31: {  	[smem:$0x3FB4] =	sst s10  }
0x32: {  	s10 =	sld [smem:$0x3FB2];
	_ =	sdelay $0x3  }
0x33: {  	p0 =	seq.s32 s10, $0x1;
	s10 =	sld [smem:$0x3FB4];
	_ =	sdelay $0x3  }
0x34: {  	[smem:$0x3FB4] =	sst s10  }
0x35: {  	s10 =	sld [smem:$0x3FB3];
	_ =	sdelay $0x3  }
0x36: {  	p1 =	seq.s32 s10, $0x1;
	s10 =	sld [smem:$0x3FB4];
	_ =	sdelay $0x3  }
0x37: {  	[smem:$0x3FB4] =	sst s10  }
0x38: {  	s10 =	sld [smem:$0x3FB5]  }
0x39: {  	_ = 	snop;
	(pc) =	sbr.ind lr, $3  }
0x3a: {  	_ = 	snop  }
0x3b: {  	_ = 	snop  }
0x3c: {  	p2 =	seq.s32 s10, $0x1;
	s10 =	sld [smem:$0x3FB4]  }
0x3d: {  	_ =	shalt  }
0x3e: {  	_ =	shalt  }
0x3f: {  	_ =	shalt  }
0x40: {  	_ =	shalt  }
0x41: {  	_ =	shalt  }
0x42: {  	_ =	shalt  }
0x43: {  	_ =	shalt  }
0x44: {  	_ =	shalt  }
0x45: {  	_ =	shalt  }
0x46: {  	_ =	shalt  }
0x47: {  	_ =	shalt  }
0x48: {  	_ =	shalt  }
0x49: {  	_ =	shalt  }
0x4a: {  	_ =	shalt  }
0x4b: {  	_ =	shalt  }
0x4c: {  	_ =	shalt  }
0x4d: {  	_ =	shalt  }
0x4e: {  	_ =	shalt  }
0x4f: {  	_ =	shalt  }
0x50: {  	_ =	shalt  }
0x51: {  	_ =	shalt  }
0x52: {  	_ =	shalt  }
0x53: {  	_ =	shalt  }
0x54: {  	_ =	shalt  }
0x55: {  	_ =	shalt  }
0x56: {  	_ =	shalt  }
0x57: {  	_ =	shalt  }
0x58: {  	_ =	shalt  }
0x59: {  	_ =	shalt  }
0x5a: {  	_ =	shalt  }
0x5b: {  	_ =	shalt  }
0x5c: {  	_ =	shalt  }
0x5d: {  	_ =	shalt  }
0x5e: {  	_ =	shalt  }
0x5f: {  	_ =	shalt  }
0x60: {  	_ =	shalt  }
0x61: {  	_ =	shalt  }
0x62: {  	_ =	shalt  }
0x63: {  	_ =	shalt  }
0x64: {  	_ =	shalt  }
0x65: {  	_ =	shalt  }
0x66: {  	_ =	shalt  }
0x67: {  	_ =	shalt  }
0x68: {  	_ =	shalt  }
0x69: {  	_ =	shalt  }
0x6a: {  	_ =	shalt  }
0x6b: {  	_ =	shalt  }
0x6c: {  	_ =	shalt  }
0x6d: {  	_ =	shalt  }
0x6e: {  	_ =	shalt  }
0x6f: {  	_ =	shalt  }
0x70: {  	_ =	shalt  }
0x71: {  	_ =	shalt  }
0x72: {  	_ =	shalt  }
0x73: {  	_ =	shalt  }
0x74: {  	_ =	shalt  }
0x75: {  	_ =	shalt  }
0x76: {  	_ =	shalt  }
0x77: {  	_ =	shalt  }
0x78: {  	_ =	shalt  }
0x79: {  	_ =	shalt  }
0x7a: {  	_ =	shalt  }
0x7b: {  	_ =	shalt  }
0x7c: {  	_ =	shalt  }
0x7d: {  	_ =	shalt  }
0x7e: {  	_ =	shalt  }
0x7f: {  	_ =	shalt  }
0x80: {  	_ =	shalt  }
0x81: {  	_ =	shalt  }
0x82: {  	_ =	shalt  }
0x83: {  	_ =	shalt  }
0x84: {  	_ =	shalt  }
0x85: {  	_ =	shalt  }
0x86: {  	_ =	shalt  }
0x87: {  	_ =	shalt  }
.Lfunc_end0:
.L_simem_size_0:
called_computation.3_lowered:
.L_overlay_start_0:
0x88: {  	s2 =	sld [smem:$0x3FD9]  }
0x89: {  	s3 =	sld [smem:$0x3FFE];
	_ =	sdelay $0x1  }
0x8a: {  	s1 =	srdreg.scid  }
0x8b: {  	s0 =	sand.u32 $0x1, s1  }
0x8c: {  	s17 =	sshll.u32 s0, $0xA;
	s2 =	sadd.s32 s3, s2  }
0x8d: {  	s2 =	sadd.s32 s2, s17  }
0x8e: {  	[smem:$0x3FC0] =	sst s2  }
0x8f: {  	_ = 	snop  }
0x90: {  	s18 =	sld [smem:$0x3FD0];
	(tm) =	ssettm $0x1  }
0x91: {  	s19 =	sld [smem:$0x3FFB];
	_ =	sdelay $0x3  }
0x92: {  	_ =	strace s19  }
0x93: {  	s2 =	sld [smem:$0x3FFC];
	_ =	sdelay $0x3  }
0x94: {  	_ =	strace s2  }
0x95: {  	s2 =	sld [smem:$0x3FFD];
	_ =	sdelay $0x3  }
0x96: {  	_ =	strace s2  }
0x97: {  	_ =	strace $0x8FFFFFFF  }
0x98: {  	s20 =	sld [smem:$0x3FDB];
	_ =	sdelay $0x1  }
0x99: {  	s4 =	simm.s32 $_scs_section_size  }
0x9a: {  	s5 =	simm.s32 $_size__tile_overlayer_lowered;
	s6 =	simm.s32 $_tile_overlayer_lowered  }
0x9b: {  	s7 =	simm.s32 $0x1BFF;
	s21 =	sshll.u32 s6, $0x1;
	s4 =	sadd.s32 s4, s20  }
0x9c: {  	s22 =	simm.s32 $0x0;
	s5 =	sshll.u32 s5, $0x1;
	s6 =	sadd.s32 s21, s4  }
0x9d: {  	[timem:s22], [sflag:s7] =	dma.local [hbm:s6], s5  }
0x9e: {  	_ =	swait.ge [sflag:s7], s5  }
0x9f: {  	s5 =	ssub.s32 $0x0, s5;
	[sflag:s7] =	ssyncset.done $0x0  }
0xa0: {  	[sflag:s7] =	ssyncadd.s32 s5;
	_ =	sdelay $0x1  }
0xa1: {  	s23 =	simm.s32 $0x1B8B  }
0xa2: {  	_ =	swait.ge [sflag:s23], $0x1  }
0xa3: {  	[sflag:s23] =	ssyncset.done $0x0  }
0xa4: {  	[sflag:s23] =	ssyncadd.s32 $0xFFFFFFFF  }
0xa5: {  	s5 =	sld [smem:$0x0]  }
0xa6: {  	s6 =	sand.u32 $0xFFFFFFFE, s1  }
0xa7: {  	p0 =	sne.s32 s1, s6  }
0xa8: {  	s6 =	sshll.u32 @p0 s6, $0xE  }
0xa9: {  	s6 =	sadd.s32 @p0 $0x11B8D, s6;
	s7 =	sshll.u32 @p0 s5, $0x11  }
0xaa: {  	s6 =	sor.u32 @p0 s7, s6  }
0xab: {  	[sflag:s6] =	ssyncadd.remote.s32 @p0 $0x1;
	_ =	sdelay $0x1  }
0xac: {  	s6 =	simm.s32 @p0 $0x1B8D  }
0xad: {  	_ =	swait.eq @p0 [sflag:s6], $0x1  }
0xae: {  	[sflag:s6] =	ssyncadd.s32 @p0 $0xFFFFFFFF  }
0xaf: {  	s7 =	sshll.u32 @!p0 s1, $0xE  }
0xb0: {  	s7 =	sor.u32 @!p0 $0x4000, s7;
	s6 =	simm.s32 @!p0 $0x1B8D  }
0xb1: {  	s5 =	sshll.u32 @!p0 s5, $0x11;
	s7 =	sadd.s32 @!p0 $0x11B8D, s7;
	_ =	swait.eq @!p0 [sflag:s6], $0x1  }
0xb2: {  	s5 =	sor.u32 @!p0 s5, s7;
	[sflag:s6] =	ssyncadd.s32 @!p0 $0xFFFFFFFF  }
0xb3: {  	s25 =	simm.s32 $0x1B8E;
	s24 =	sld [smem:$0x3FFE];
	[sflag:s5] =	ssyncadd.remote.s32 @!p0 $0x1  }
0xb4: {  	s26 =	simm.s32 $execute0_lowered;
	[smem:$0x3FD2] =	sst s25  }
0xb5: {  	s6 =	sshll.u32 s26, $0x1;
	_ =	strace $0x8000004F;
	[dreg:$0x1] =	wrdreg $0xFFFFFFFF  }
0xb6: {  	s28 =	simm.s32 $_size_execute0_lowered;
	s4 =	sadd.s32 s4, s6;
	[dreg:$0x0] =	wrdreg $0x0  }
0xb7: {  	s6 =	sshll.u32 s28, $0x1;
	[dreg:$0x2] =	wrdreg s4  }
0xb8: {  	[dreg:$0x3] =	wrdreg s6  }
0xb9: {  	[dreg:$0x4] =	wrdreg $0xC0  }
0xba: {  	_ =	task [dreg:s22], $0x5FFFF  }
0xbb: {  	[dreg:$0x1] =	wrdreg $0xFFFFFFFF  }
0xbc: {  	[dreg:$0x0] =	wrdreg $0x60  }
0xbd: {  	[dreg:$0x2] =	wrdreg s24  }
0xbe: {  	[dreg:$0x3] =	wrdreg s18  }
0xbf: {  	[dreg:$0x4] =	wrdreg $0xBF680  }
0xc0: {  	[dreg:$0x5] =	wrdreg $0x10D880  }
0xc1: {  	[dreg:$0x6] =	wrdreg $0xA  }
0xc2: {  	_ =	task.clear_ibuf [dreg:s22], $0x7FFFF;
	_ =	strace $0x9000004F  }
0xc3: {  	s29 =	simm.s32 $0xA;
	_ =	strace $0x80000051  }
0xc4: {  	_ =	swait.ge [sflag:s29], $0x1  }
0xc5: {  	[sflag:s29] =	ssyncadd.s32 $0xFFFFFFFF  }
0xc6: {  	_ =	strace $0x90000051  }
0xc7: {  	_ =	sfence  }
0xc8: {  	s30 =	sld [smem:$0x0];
	_ =	sdelay $0x2  }
0xc9: {  	s31 =	sshll.u32 s1, $0xD;
	s1 =	sshrl.u32 s1, $0x2  }
0xca: {  	s4 =	sand.u32 $0x4000, s31;
	s1 =	sadd.s32 s1, s30  }
0xcb: {  	s0 =	sor.u32 s4, s0;
	s1 =	sshll.u32 s1, $0x11  }
0xcc: {  	s0 =	sor.u32 s1, s0  }
0xcd: {  	s0 =	sadd.s32 $0x8F2B, s0  }
0xce: {  	[sflag:s0] =	ssyncadd.remote.s32 $0x1  }
0xcf: {  	_ =	sfence.sel $0xFFFF  }
0xd0: {  	[dreg:$0x0] =	wrdreg $0xFFFFFFFF;
	(pc) =	sbr.abs _section_cstart, $3  }
0xd1: {  	[dreg:$0x1] =	wrdreg $0xFFFFFFFF  }
0xd2: {  	_ =	task.clear_ibuf [dreg:s22], $0x2FFFF;
	_ =	strace $0x9FFFFFFF  }
0xd3: {  	(tm) =	ssettm $0x7FFFFFFF  }
tec
execute0_lowered:
.L_overlay_start_1:
0x0: {  	(tag) =	ssettag $0x1  }
0x1: {  	s18 =	rddreg [dreg:$0x0]  }
0x2: {  	s19 =	rddreg [dreg:$0x1]  }
0x3: {  	s2 =	rddreg [dreg:$0x2]  }
0x4: {  	s0 =	stileid.u32;
	s3 =	rddreg [dreg:$0x3]  }
0x5: {  	s1 =	rddreg [dreg:$0x4];
	s4 =	simm.s32 $0x0;
	s21 =	smul.u32 $0x4E20, s0  }
0x6: {  	s20 =	smul.u32 $0x2710, s0;
	[smem:$0x7FF] =	sst s4  }
0x7: {  	s6 =	sshll.u32 s0, $0x6;
	_ =	strace $0x80000050;
	s5 =	sshrl.u32 s21, $0x3  }
0x8: {  	s6 =	sor.u32 $0x1C01, s6;
	s7 =	sadd.s32 s21, s2;
	s5 =	sadd.s32 s5, s18  }
0x9: {  	s8 =	sshrl.u32 s7, $0x3;
	s7 =	simm.s32 $0x1;
	s5 =	sadd.s32 $0xD1200, s5  }
0xa: {  	[spmem:s8], [sflag:s6] =	dma.local [hbm:s5], $0x9C4  }
0xb: {  	s11 =	srdreg.scid;
	s9 =	sshrl.u32 s20, $0x3;
	_ =	swait.ge [sflag:s7], $0x9C4  }
0xc: {  	s10 =	sadd.s32 s20, s3;
	s9 =	sadd.s32 s9, s18;
	[sflag:s7] =	ssyncset.done $0x0  }
0xd: {  	s10 =	sshrl.u32 s10, $0x3;
	s9 =	sadd.s32 $0xDB000, s9;
	[sflag:s7] =	ssyncadd.s32 $0xFFFFF63C  }
0xe: {  	[spmem:s10], [sflag:s6] =	dma.local [hbm:s9], $0x4E2  }
0xf: {  	s22 =	sand.u32 $0x1, s11;
	s12 =	sshll.u32 s0, $0x1;
	_ =	swait.ge [sflag:s7], $0x4E2  }
0x10: {  	s11 =	sadd.s32 $0xE0000, s18;
	s17 =	sor.u32 s22, s12;
	[sflag:s7] =	ssyncset.done $0x0  }
0x11: {  	s12 =	simm.s32 $0x80E8;
	s16 =	smul.u32 $0x7D0, s17;
	[sflag:s7] =	ssyncadd.s32 $0xFFFFFB1E  }
0x12: {  	[tilespmem:s12], [sflag:$0x1] =	stream.linear.gather [hbm4b:s11+s4], $0x3E80, $0x38;
	[tilespmem:$0x13498] =	vst v63  }
0x13: {  	_ =	swait.ge [sflag:s7], $0x3E80  }
0x14: {  	s23 =	sadd.s32 $0x2B000, s18;
	s13 =	sshrl.u32 s16, $0x3;
	[sflag:s7] =	ssyncset.done $0x0  }
0x15: {  	s13 =	sadd.s32 s23, s13;
	[sflag:s7] =	ssyncadd.s32 $0xFFFFC180  }
0x16: {  	s13 =	sadd.s32 $0x2EE0, s13;
	[bflag:$0x0] =	sbarrier.arrive $0xFFFF  }
0x17: {  	[tilespmem:s4], [sflag:$0x1] =	stream.linear.gather [hbm4b:s13+s4], $0x3E8, $0x38;
	[tilespmem:$0x13498] =	vst v63  }
0x18: {  	s14 =	smul.u32 $0x1F40, s17;
	_ =	swait.ge [sflag:s7], $0x3E8  }
0x19: {  	s24 =	sadd.s32 $0x92A00, s18;
	[sflag:s7] =	ssyncset.done $0x0  }
0x1a: {  	s15 =	simm.s32 $0x3E8;
	s14 =	sadd.s32 s24, s14;
	[sflag:s7] =	ssyncadd.s32 $0xFFFFFC18  }
0x1b: {  	[tilespmem:s15], [sflag:$0x1] =	stream.linear.gather [hbm4b:s14+s4], $0x7D00, $0x38;
	[tilespmem:$0x13498] =	vst v63  }
0x1c: {  	_ =	swait.ge [sflag:s7], $0x7D00  }
0x1d: {  	[sflag:s7] =	ssyncset.done $0x0  }
0x1e: {  	[sflag:s7] =	ssyncadd.s32 $0xFFFF8300  }
0x1f: {  	[spmem:s2] =	stream.indirect.scatter.add.f32 [tilespmem:s15], [sflag:$0x1], $0x20, s4, s15, $0xb8;
	[tilespmem:$0x13498] =	vst v63  }
0x20: {  	_ =	swait.ge [sflag:s7], $0x7D00  }
0x21: {  	[sflag:s7] =	ssyncset.done $0x0  }
0x22: {  	[sflag:s7] =	ssyncadd.s32 $0xFFFF8300  }
0x23: {  	[spmem:s3] =	stream.indirect.scatter.add.f32 [tilespmem:s12], [sflag:$0x1], $0x10, s4, s15, $0xb8;
	[tilespmem:$0x13498] =	vst v63  }
0x24: {  	s16 =	sadd.s32 $0x17AE8, s16;
	_ =	swait.ge [sflag:s7], $0x3E80  }
0x25: {  	s16 =	sshrl.u32 s16, $0x3;
	[sflag:s7] =	ssyncset.done $0x0  }
0x26: {  	s17 =	smul.u32 $0xFA00, s17;
	s16 =	sadd.s32 s23, s16;
	[sflag:s7] =	ssyncadd.s32 $0xFFFFC180  }
0x27: {  	[tilespmem:s4], [sflag:$0x1] =	stream.linear.gather [hbm4b:s16+s4], $0x3E8, $0x38;
	[tilespmem:$0x13498] =	vst v63  }
0x28: {  	s17 =	sshrl.u32 s17, $0x3;
	_ =	swait.ge [sflag:s7], $0x3E8  }
0x29: {  	s17 =	sadd.s32 s24, s17;
	[sflag:s7] =	ssyncset.done $0x0  }
0x2a: {  	s17 =	sadd.s32 $0xFA0, s17;
	[sflag:s7] =	ssyncadd.s32 $0xFFFFFC18  }
0x2b: {  	[tilespmem:s15], [sflag:$0x1] =	stream.linear.gather [hbm4b:s17+s4], $0x7D00, $0x38;
	[tilespmem:$0x13498] =	vst v63  }
0x2c: {  	_ =	swait.ge [sflag:s7], $0x7D00  }
0x2d: {  	[sflag:s7] =	ssyncset.done $0x0  }
0x2e: {  	[sflag:s7] =	ssyncadd.s32 $0xFFFF8300  }
0x2f: {  	[spmem:s2] =	stream.indirect.scatter.add.f32 [tilespmem:s15], [sflag:$0x1], $0x20, s4, s15, $0xb8;
	[tilespmem:$0x13498] =	vst v63  }
0x30: {  	_ =	swait.ge [sflag:s7], $0x7D00  }
0x31: {  	[sflag:s7] =	ssyncset.done $0x0  }
0x32: {  	s28 =	smul.u32 $0x4E200, s22;
	s29 =	ssub.s32 $0x2, s22;
	[sflag:s7] =	ssyncadd.s32 $0xFFFF8300  }
0x33: {  	[spmem:s3] =	stream.indirect.scatter.add.f32 [tilespmem:s12], [sflag:$0x1], $0x10, s4, s15, $0xb8;
	[tilespmem:$0x13498] =	vst v63  }
0x34: {  	s22 =	smul.u32 $0x27100, s22;
	s21 =	sadd.s32 s21, s28;
	_ =	swait.ge [sflag:s7], $0x3E80  }
0x35: {  	s30 =	sshrl.u32 s29, $0x1;
	s21 =	sshrl.u32 s21, $0x3;
	[sflag:s7] =	ssyncset.done $0x0  }
0x36: {  	s18 =	sadd.s32 s21, s18;
	s21 =	ssub.s32 s29, s30;
	[sflag:s7] =	ssyncadd.s32 $0xFFFFC180  }
0x37: {  	s18 =	sadd.s32 $0xFE000, s18;
	s31 =	smax.u32 s21, $0x1;
	[bflag:$0x0] =	sbarrier.arrive $0xFFFF  }
0x38: {  	[hbm:s18], [sflag:s6] =	dma.local [spmem:s8], $0x9C4  }
0x39: {  	s20 =	sadd.s32 s20, s22;
	p0 =	sne.s32 s31, $0x1;
	_ =	swait.ge [sflag:s7], $0x9C4  }
.Ltmp0:
0x3a: {  	s20 =	sshrl.u32 s20, $0x3;
	[sflag:s7] =	ssyncset.done $0x0;
	(pc) =	sbr.rel @!p0 .LBB2_2-.Ltmp0, $4  }
0x3b: {  	s19 =	sadd.s32 s19, s20;
	[sflag:s7] =	ssyncadd.s32 $0xFFFFF63C  }
0x3c: {  	[hbm:s19], [sflag:s6] =	dma.local [spmem:s10], $0x4E2  }
0x3d: {  	_ =	swait.ge [sflag:s7], $0x4E2  }
0x3e: {  	s20 =	sadd.s32 $0xFFFFFFFF, s31;
	[sflag:s7] =	ssyncset.done $0x0  }
.LBB2_1:
0x3f: {  	p0 =	sne.s32 s20, $0x1;
	s20 =	sadd.s32 $0xFFFFFFFF, s20;
	[sflag:s7] =	ssyncadd.s32 $0xFFFFFB1E  }
0x40: {  	[spmem:s8], [sflag:s6] =	dma.local [hbm:s5], $0x9C4  }
0x41: {  	_ =	swait.ge [sflag:s7], $0x9C4  }
0x42: {  	[sflag:s7] =	ssyncset.done $0x0  }
0x43: {  	[sflag:s7] =	ssyncadd.s32 $0xFFFFF63C  }
0x44: {  	[spmem:s10], [sflag:s6] =	dma.local [hbm:s9], $0x4E2  }
0x45: {  	_ =	swait.ge [sflag:s7], $0x4E2  }
0x46: {  	[sflag:s7] =	ssyncset.done $0x0  }
0x47: {  	[sflag:s7] =	ssyncadd.s32 $0xFFFFFB1E  }
0x48: {  	[tilespmem:s12], [sflag:$0x1] =	stream.linear.gather [hbm4b:s11+s4], $0x3E80, $0x38;
	[tilespmem:$0x13498] =	vst v63  }
0x49: {  	_ =	swait.ge [sflag:s7], $0x3E80  }
0x4a: {  	[sflag:s7] =	ssyncset.done $0x0  }
0x4b: {  	[sflag:s7] =	ssyncadd.s32 $0xFFFFC180  }
0x4c: {  	[bflag:$0x0] =	sbarrier.arrive $0xFFFF  }
0x4d: {  	[tilespmem:s4], [sflag:$0x1] =	stream.linear.gather [hbm4b:s13+s4], $0x3E8, $0x38;
	[tilespmem:$0x13498] =	vst v63  }
0x4e: {  	_ =	swait.ge [sflag:s7], $0x3E8  }
0x4f: {  	[sflag:s7] =	ssyncset.done $0x0  }
0x50: {  	[sflag:s7] =	ssyncadd.s32 $0xFFFFFC18  }
0x51: {  	[tilespmem:s15], [sflag:$0x1] =	stream.linear.gather [hbm4b:s14+s4], $0x7D00, $0x38;
	[tilespmem:$0x13498] =	vst v63  }
0x52: {  	_ =	swait.ge [sflag:s7], $0x7D00  }
0x53: {  	[sflag:s7] =	ssyncset.done $0x0  }
0x54: {  	[sflag:s7] =	ssyncadd.s32 $0xFFFF8300  }
0x55: {  	[spmem:s2] =	stream.indirect.scatter.add.f32 [tilespmem:s15], [sflag:$0x1], $0x20, s4, s15, $0xb8;
	[tilespmem:$0x13498] =	vst v63  }
0x56: {  	_ =	swait.ge [sflag:s7], $0x7D00  }
0x57: {  	[sflag:s7] =	ssyncset.done $0x0  }
0x58: {  	[sflag:s7] =	ssyncadd.s32 $0xFFFF8300  }
0x59: {  	[spmem:s3] =	stream.indirect.scatter.add.f32 [tilespmem:s12], [sflag:$0x1], $0x10, s4, s15, $0xb8;
	[tilespmem:$0x13498] =	vst v63  }
0x5a: {  	_ =	swait.ge [sflag:s7], $0x3E80  }
0x5b: {  	[sflag:s7] =	ssyncset.done $0x0  }
0x5c: {  	[sflag:s7] =	ssyncadd.s32 $0xFFFFC180  }
0x5d: {  	[tilespmem:s4], [sflag:$0x1] =	stream.linear.gather [hbm4b:s16+s4], $0x3E8, $0x38;
	[tilespmem:$0x13498] =	vst v63  }
0x5e: {  	_ =	swait.ge [sflag:s7], $0x3E8  }
0x5f: {  	[sflag:s7] =	ssyncset.done $0x0  }
0x60: {  	[sflag:s7] =	ssyncadd.s32 $0xFFFFFC18  }
0x61: {  	[tilespmem:s15], [sflag:$0x1] =	stream.linear.gather [hbm4b:s17+s4], $0x7D00, $0x38;
	[tilespmem:$0x13498] =	vst v63  }
0x62: {  	_ =	swait.ge [sflag:s7], $0x7D00  }
0x63: {  	[sflag:s7] =	ssyncset.done $0x0  }
0x64: {  	[sflag:s7] =	ssyncadd.s32 $0xFFFF8300  }
0x65: {  	[spmem:s2] =	stream.indirect.scatter.add.f32 [tilespmem:s15], [sflag:$0x1], $0x20, s4, s15, $0xb8;
	[tilespmem:$0x13498] =	vst v63  }
0x66: {  	_ =	swait.ge [sflag:s7], $0x7D00  }
0x67: {  	[sflag:s7] =	ssyncset.done $0x0  }
0x68: {  	[sflag:s7] =	ssyncadd.s32 $0xFFFF8300  }
0x69: {  	[spmem:s3] =	stream.indirect.scatter.add.f32 [tilespmem:s12], [sflag:$0x1], $0x10, s4, s15, $0xb8;
	[tilespmem:$0x13498] =	vst v63  }
0x6a: {  	_ =	swait.ge [sflag:s7], $0x3E80  }
0x6b: {  	[sflag:s7] =	ssyncset.done $0x0  }
0x6c: {  	[sflag:s7] =	ssyncadd.s32 $0xFFFFC180  }
0x6d: {  	[bflag:$0x0] =	sbarrier.arrive $0xFFFF  }
0x6e: {  	[hbm:s18], [sflag:s6] =	dma.local [spmem:s8], $0x9C4  }
0x6f: {  	_ =	swait.ge [sflag:s7], $0x9C4  }
.Ltmp1:
0x70: {  	[sflag:s7] =	ssyncset.done $0x0;
	(pc) =	sbr.rel @p0 .LBB2_1-.Ltmp1, $4  }
0x71: {  	[sflag:s7] =	ssyncadd.s32 $0xFFFFF63C  }
0x72: {  	[hbm:s19], [sflag:s6] =	dma.local [spmem:s10], $0x4E2  }
0x73: {  	_ =	swait.ge [sflag:s7], $0x4E2  }
0x74: {  	[sflag:s7] =	ssyncset.done $0x0  }
.LBB2_2:
0x75: {  	[sflag:s7] =	ssyncadd.s32 $0xFFFFFB1E  }
0x76: {  	_ =	sfence.sel $0x180000  }
0x77: {  	[bflag:$0x0] =	sbarrier.arrive $0xFFFF  }
0x78: {  	p0 =	sne.s32 s0, $0x0;
	_ =	strace $0x90000050  }
0x79: {  	s0 =	sadd.s32 @!p0 $0x100000, s1;
	[bflag:$0x2] =	sbarrier.arrive $0xFFFF  }
0x7a: {  	[sflag:s0] =	ssyncadd.tile.s32 @!p0 $0x1;
	_ =	shalt  }
.Lfunc_end2:
_tile_overlayer_lowered:
.L_overlay_start_2:
0x7b: {  	(tag) =	ssettag $0x2  }
0x7c: {  	s0 =	rddreg [dreg:$0x0];
	s2 =	stileid.u32  }
0x7d: {  	s1 =	rddreg [dreg:$0x1];
	p0 =	sne.s32 s2, $0x0  }
0x7e: {  	s3 =	rddreg [dreg:$0x2];
	[bflag:$0x3] =	sbarrier.arrive $0xFFFF;
	s2 =	simm.s32 @!p0 $0x1C01  }
0x7f: {  	[timem:s3], [sflag:s2] =	dma.local @!p0 [hbm:s0], s1  }
0x80: {  	s0 =	simm.s32 @!p0 $0x1  }
0x81: {  	_ =	swait.ge @!p0 [sflag:s0], s1  }
0x82: {  	s1 =	ssub.s32 @!p0 $0x0, s1;
	[sflag:s0] =	ssyncset.done @!p0 $0x0  }
0x83: {  	[sflag:s0] =	ssyncadd.s32 @!p0 s1  }
0x84: {  	[bflag:$0x3] =	sbarrier.arrive $0xFFFF  }
0x85: {  	_ =	shalt  }

// kernel: kernel.9.cloned.1.call-start
scs
__scs_entry_jumppad:
0x0: {  	(pc) =	sbr.rel $0x88, $3  }
0x1: {  	(tag) =	ssettag $0x0;
	lr =	simm.s32 $0x1  }
0x2: {  	[smem:$0x3F99] =	sst lr;
	_ =	strace $0xD0000000  }
0x3: {  	_ = 	snop  }
0x4: {  	_ = 	snop  }
0x5: {  	_ = 	snop  }
0x6: {  	_ = 	snop  }
0x7: {  	_ = 	snop  }
__scs_overlays_trampoline_lowered:
0x8: {  	[smem:$0x3FA8] =	sst s0  }
0x9: {  	[smem:$0x3FA9] =	sst s1  }
0xa: {  	[smem:$0x3FAA] =	sst s2  }
0xb: {  	[smem:$0x3FAB] =	sst s3  }
0xc: {  	[smem:$0x3FAC] =	sst s4  }
0xd: {  	[smem:$0x3FAD] =	sst s5  }
0xe: {  	[smem:$0x3FAE] =	sst s6  }
0xf: {  	[smem:$0x3FAF] =	sst s7  }
0x10: {  	[smem:$0x3FB0] =	sst s8  }
0x11: {  	[smem:$0x3FB1] =	sst s9;
	s0 =	simm.s32 @!p0 $0x0  }
0x12: {  	s1 =	sld [smem:$0x3F97];
	s0 =	simm.s32 @p0 $0x1  }
0x13: {  	[smem:$0x3FB2] =	sst s0;
	s0 =	simm.s32 @!p1 $0x0  }
0x14: {  	s2 =	sld [smem:$0x3F96];
	s0 =	simm.s32 @p1 $0x1  }
0x15: {  	[smem:$0x3FB3] =	sst s0;
	s0 =	simm.s32 @!p2 $0x0  }
0x16: {  	s3 =	sld [smem:$0x3FDB];
	s0 =	simm.s32 @p2 $0x1  }
0x17: {  	s4 =	simm.s32 $0x1BF5;
	[smem:$0x3FB5] =	sst s0  }
0x18: {  	s0 =	sld [smem:$0x3F98];
	_ =	swait.ge [sflag:s4], $0x0  }
0x19: {  	s7 =	sld [smem:$0x3F99]  }
0x1a: {  	s8 =	sadd.s32 $0xFFFFE003, lr  }
0x1b: {  	s9 =	sadd.s32 $0xFFFFFEF7, lr;
	s5 =	simm.s32 $0xFFFFFFFF;
	p2 =	slt.u32 s8, $0xFFFFF086  }
0x1c: {  	p1 =	slt.u32 s9, $0xF7A;
	s5 =	simm.s32 @!p2 $0x0  }
0x1d: {  	s5 =	simm.s32 @p1 $0x1;
	p0 =	seq.s32 s7, s2  }
0x1e: {  	s7 =	smul.u32 @!p0 $0xF7A, s2;
	p2 =	seq.s32 @!p0 s5, $0x0  }
0x1f: {  	s9 =	smul.u32 $0xF7A, s1;
	s8 =	simm.s32 @!p0 $0x1BF5;
	p2 =	por !p2, p0  }
0x20: {  	[sflag:s8] =	ssyncset.s32 @!p0 $0xFFFFF086;
	s6 =	sadd.s32 @!p0 s3, s7;
	s7 =	simm.s32 @!p0 $0x108  }
0x21: {  	s3 =	sadd.s32 s3, s9;
	s6 =	sadd.s32 @!p0 $0x88, s6;
	s7 =	simm.s32 @p2 $0x1082  }
0x22: {  	[simem:s7], [sflag:s8] =	dma.local @!p0 [hbm:s6], $0xF7A  }
0x23: {  	s9 =	sor.u32 $0xD0000000, s2;
	s6 =	simm.s32 $0x108;
	_ =	swait.ge @!p0 [sflag:s8], $0x0  }
0x24: {  	s3 =	sadd.s32 $0x88, s3;
	s6 =	simm.s32 @!p1 $0x1082;
	[sflag:s4] =	ssyncset.s32 $0xFFFFF086  }
0x25: {  	[simem:s6], [sflag:s4] =	dma.local [hbm:s3], $0xF7A  }
0x26: {  	[smem:$0x3F99] =	sst s1;
	(tag) =	ssettag s2;
	_ =	strace s9  }
0x27: {  	s1 =	sld [smem:$0x3FA9]  }
0x28: {  	s2 =	sld [smem:$0x3FAA]  }
0x29: {  	s4 =	sld [smem:$0x3FAC]  }
0x2a: {  	p0 =	seq.s32 s5, $0x0;
	s5 =	sld [smem:$0x3FAD]  }
0x2b: {  	s6 =	sld [smem:$0x3FAE]  }
0x2c: {  	s7 =	sld [smem:$0x3FAF]  }
0x2d: {  	s3 =	simm.s32 $0x108;
	s8 =	sld [smem:$0x3FB0]  }
0x2e: {  	s3 =	simm.s32 @!p0 $0x1082;
	s9 =	sld [smem:$0x3FB1]  }
0x2f: {  	lr =	sadd.s32 s0, s3;
	s0 =	sld [smem:$0x3FA8]  }
0x30: {  	s3 =	sld [smem:$0x3FAB]  }
0x31: {  	[smem:$0x3FB4] =	sst s10  }
0x32: {  	s10 =	sld [smem:$0x3FB2];
	_ =	sdelay $0x3  }
0x33: {  	p0 =	seq.s32 s10, $0x1;
	s10 =	sld [smem:$0x3FB4];
	_ =	sdelay $0x3  }
0x34: {  	[smem:$0x3FB4] =	sst s10  }
0x35: {  	s10 =	sld [smem:$0x3FB3];
	_ =	sdelay $0x3  }
0x36: {  	p1 =	seq.s32 s10, $0x1;
	s10 =	sld [smem:$0x3FB4];
	_ =	sdelay $0x3  }
0x37: {  	[smem:$0x3FB4] =	sst s10  }
0x38: {  	s10 =	sld [smem:$0x3FB5]  }
0x39: {  	_ = 	snop;
	(pc) =	sbr.ind lr, $3  }
0x3a: {  	_ = 	snop  }
0x3b: {  	_ = 	snop  }
0x3c: {  	p2 =	seq.s32 s10, $0x1;
	s10 =	sld [smem:$0x3FB4]  }
0x3d: {  	_ =	shalt  }
0x3e: {  	_ =	shalt  }
0x3f: {  	_ =	shalt  }
0x40: {  	_ =	shalt  }
0x41: {  	_ =	shalt  }
0x42: {  	_ =	shalt  }
0x43: {  	_ =	shalt  }
0x44: {  	_ =	shalt  }
0x45: {  	_ =	shalt  }
0x46: {  	_ =	shalt  }
0x47: {  	_ =	shalt  }
0x48: {  	_ =	shalt  }
0x49: {  	_ =	shalt  }
0x4a: {  	_ =	shalt  }
0x4b: {  	_ =	shalt  }
0x4c: {  	_ =	shalt  }
0x4d: {  	_ =	shalt  }
0x4e: {  	_ =	shalt  }
0x4f: {  	_ =	shalt  }
0x50: {  	_ =	shalt  }
0x51: {  	_ =	shalt  }
0x52: {  	_ =	shalt  }
0x53: {  	_ =	shalt  }
0x54: {  	_ =	shalt  }
0x55: {  	_ =	shalt  }
0x56: {  	_ =	shalt  }
0x57: {  	_ =	shalt  }
0x58: {  	_ =	shalt  }
0x59: {  	_ =	shalt  }
0x5a: {  	_ =	shalt  }
0x5b: {  	_ =	shalt  }
0x5c: {  	_ =	shalt  }
0x5d: {  	_ =	shalt  }
0x5e: {  	_ =	shalt  }
0x5f: {  	_ =	shalt  }
0x60: {  	_ =	shalt  }
0x61: {  	_ =	shalt  }
0x62: {  	_ =	shalt  }
0x63: {  	_ =	shalt  }
0x64: {  	_ =	shalt  }
0x65: {  	_ =	shalt  }
0x66: {  	_ =	shalt  }
0x67: {  	_ =	shalt  }
0x68: {  	_ =	shalt  }
0x69: {  	_ =	shalt  }
0x6a: {  	_ =	shalt  }
0x6b: {  	_ =	shalt  }
0x6c: {  	_ =	shalt  }
0x6d: {  	_ =	shalt  }
0x6e: {  	_ =	shalt  }
0x6f: {  	_ =	shalt  }
0x70: {  	_ =	shalt  }
0x71: {  	_ =	shalt  }
0x72: {  	_ =	shalt  }
0x73: {  	_ =	shalt  }
0x74: {  	_ =	shalt  }
0x75: {  	_ =	shalt  }
0x76: {  	_ =	shalt  }
0x77: {  	_ =	shalt  }
0x78: {  	_ =	shalt  }
0x79: {  	_ =	shalt  }
0x7a: {  	_ =	shalt  }
0x7b: {  	_ =	shalt  }
0x7c: {  	_ =	shalt  }
0x7d: {  	_ =	shalt  }
0x7e: {  	_ =	shalt  }
0x7f: {  	_ =	shalt  }
0x80: {  	_ =	shalt  }
0x81: {  	_ =	shalt  }
0x82: {  	_ =	shalt  }
0x83: {  	_ =	shalt  }
0x84: {  	_ =	shalt  }
0x85: {  	_ =	shalt  }
0x86: {  	_ =	shalt  }
0x87: {  	_ =	shalt  }
.Lfunc_end0:
.L_simem_size_0:
called_computation_lowered:
.L_overlay_start_0:
0x88: {  	s2 =	sld [smem:$0x3FD9]  }
0x89: {  	s3 =	sld [smem:$0x3FFE];
	_ =	sdelay $0x1  }
0x8a: {  	s1 =	srdreg.scid  }
0x8b: {  	s0 =	sand.u32 $0x1, s1  }
0x8c: {  	s17 =	sshll.u32 s0, $0xA;
	s2 =	sadd.s32 s3, s2  }
0x8d: {  	s2 =	sadd.s32 s2, s17  }
0x8e: {  	[smem:$0x3FC0] =	sst s2  }
0x8f: {  	_ = 	snop  }
0x90: {  	s2 =	sld [smem:$0x3FD0];
	(tm) =	ssettm $0x1  }
0x91: {  	s18 =	sld [smem:$0x3FFB];
	_ =	sdelay $0x3  }
0x92: {  	_ =	strace s18  }
0x93: {  	s3 =	sld [smem:$0x3FFC];
	_ =	sdelay $0x3  }
0x94: {  	_ =	strace s3  }
0x95: {  	s3 =	sld [smem:$0x3FFD];
	_ =	sdelay $0x3  }
0x96: {  	_ =	strace s3  }
0x97: {  	_ =	strace $0x8FFFFFFF  }
0x98: {  	s19 =	sld [smem:$0x3FDB];
	_ =	sdelay $0x1  }
0x99: {  	s4 =	simm.s32 $_scs_section_size  }
0x9a: {  	s5 =	simm.s32 $_size__tile_overlayer_lowered;
	s6 =	simm.s32 $_tile_overlayer_lowered  }
0x9b: {  	s22 =	simm.s32 $0x1BFF;
	s21 =	sshll.u32 s6, $0x1;
	s3 =	sadd.s32 s4, s19  }
0x9c: {  	s7 =	simm.s32 $0x0;
	s20 =	sshll.u32 s5, $0x1;
	s5 =	sadd.s32 s21, s3  }
0x9d: {  	[timem:s7], [sflag:s22] =	dma.local [hbm:s5], s20  }
0x9e: {  	_ =	swait.ge [sflag:s22], s20  }
0x9f: {  	s4 =	ssub.s32 $0x0, s20;
	[sflag:s22] =	ssyncset.done $0x0  }
0xa0: {  	[sflag:s22] =	ssyncadd.s32 s4;
	_ =	sdelay $0x1  }
0xa1: {  	s23 =	simm.s32 $0x1B8B  }
0xa2: {  	_ =	swait.ge [sflag:s23], $0x1  }
0xa3: {  	[sflag:s23] =	ssyncset.done $0x0  }
0xa4: {  	s25 =	simm.s32 $0x1B8E;
	s24 =	sld [smem:$0x3FFE];
	[sflag:s23] =	ssyncadd.s32 $0xFFFFFFFF  }
0xa5: {  	s26 =	simm.s32 $execute0_lowered;
	[smem:$0x3FD2] =	sst s25  }
0xa6: {  	s5 =	sshll.u32 s26, $0x1;
	_ =	strace $0x80000046;
	[dreg:$0x1] =	wrdreg $0xFFFFFFFF  }
0xa7: {  	s28 =	simm.s32 $_size_execute0_lowered;
	s3 =	sadd.s32 s3, s5;
	[dreg:$0x0] =	wrdreg $0x0  }
0xa8: {  	s5 =	sshll.u32 s28, $0x1;
	[dreg:$0x2] =	wrdreg s3  }
0xa9: {  	[dreg:$0x3] =	wrdreg s5  }
0xaa: {  	[dreg:$0x4] =	wrdreg $0xC0  }
0xab: {  	_ =	task [dreg:s7], $0x5FFFF  }
0xac: {  	[dreg:$0x1] =	wrdreg $0xFFFFFFFF  }
0xad: {  	[dreg:$0x0] =	wrdreg $0x60  }
0xae: {  	[dreg:$0x2] =	wrdreg s2  }
0xaf: {  	[dreg:$0x3] =	wrdreg s24  }
0xb0: {  	[dreg:$0x4] =	wrdreg $0x9  }
0xb1: {  	_ =	task.clear_ibuf [dreg:s7], $0x5FFFF;
	_ =	strace $0x90000046  }
0xb2: {  	s29 =	simm.s32 $0x9;
	_ =	strace $0x80000048  }
0xb3: {  	_ =	swait.ge [sflag:s29], $0x1  }
0xb4: {  	[sflag:s29] =	ssyncadd.s32 $0xFFFFFFFF  }
0xb5: {  	_ =	strace $0x90000048  }
0xb6: {  	_ =	sfence  }
0xb7: {  	s30 =	sld [smem:$0x0];
	_ =	sdelay $0x2  }
0xb8: {  	s31 =	sshll.u32 s1, $0xD;
	s1 =	sshrl.u32 s1, $0x2  }
0xb9: {  	s3 =	sand.u32 $0x4000, s31;
	s1 =	sadd.s32 s1, s30  }
0xba: {  	s0 =	sor.u32 s3, s0;
	s1 =	sshll.u32 s1, $0x11  }
0xbb: {  	s0 =	sor.u32 s1, s0  }
0xbc: {  	s0 =	sadd.s32 $0x8F2B, s0  }
0xbd: {  	[sflag:s0] =	ssyncadd.remote.s32 $0x1  }
0xbe: {  	_ =	sfence.sel $0xFFFF  }
0xbf: {  	[dreg:$0x0] =	wrdreg $0xFFFFFFFF;
	(pc) =	sbr.abs _section_cstart, $3  }
0xc0: {  	[dreg:$0x1] =	wrdreg $0xFFFFFFFF  }
0xc1: {  	_ =	task.clear_ibuf [dreg:s7], $0x2FFFF;
	_ =	strace $0x9FFFFFFF  }
0xc2: {  	(tm) =	ssettm $0x7FFFFFFF  }
0xc3: {  	_ =	shalt  }
tec
execute0_lowered:
.L_overlay_start_1:
0x0: {  	(tag) =	ssettag $0x1  }
0x1: {  	s1 =	srdreg.scid;
	s0 =	stileid.u32  }
0x2: {  	s12 =	sand.u32 $0x1, s1;
	s29 =	sshll.u32 s0, $0x1  }
0x3: {  	s10 =	sor.u32 s12, s29  }
0x4: {  	s2 =	rddreg [dreg:$0x0];
	s9 =	smul.u32 $0xBB8, s10  }
0x5: {  	s8 =	rddreg [dreg:$0x1];
	s3 =	simm.s32 $0x0  }
0x6: {  	s1 =	rddreg [dreg:$0x2];
	s11 =	sadd.s32 $0x2B000, s8;
	s4 =	sshrl.u32 s9, $0x3  }
0x7: {  	[smem:$0x7FF] =	sst s3;
	s13 =	sadd.s32 s11, s4  }
0x8: {  	_ =	strace $0x80000047;
	s4 =	simm.s32 $0x2;
	s5 =	sadd.s32 $0x4E20, s13  }
0x9: {  	[tilespmem:s3], [sflag:$0x2] =	stream.linear.gather [hbm4b:s5+s3], $0x3E8, $0x38;
	[tilespmem:$0x80E8] =	vst v63  }
0xa: {  	_ =	swait.ge [sflag:s4], $0x3E8  }
0xb: {  	[sflag:s4] =	ssyncset.done $0x0  }
0xc: {  	s6 =	simm.s32 $0x3E8;
	s7 =	simm.s32 $0x1;
	[sflag:s4] =	ssyncadd.s32 $0xFFFFFC18  }
0xd: {  	[tilespmem:s6], [sflag:$0x1] =	stream.indirect.gather [hbm4b:s2+s6], $0x20, s3, s6, $0xb8;
	[tilespmem:$0x80E8] =	vst v63  }
0xe: {  	s14 =	smul.u32 $0x2EE0, s10;
	_ =	swait.ge [sflag:s7], $0x7D00  }
0xf: {  	s15 =	sadd.s32 $0x34E00, s8;
	[sflag:s7] =	ssyncset.done $0x0  }
0x10: {  	s8 =	sadd.s32 s15, s14;
	[sflag:s7] =	ssyncadd.s32 $0xFFFF8300  }
0x11: {  	[hbm4b:s8+s3] =	stream.linear.scatter [tilespmem:s6], [sflag:$0x2], $0x7D00, $0x38;
	[tilespmem:$0x80E8] =	vst v63  }
0x12: {  	s9 =	sadd.s32 $0x274E8, s9;
	_ =	swait.ge [sflag:s4], $0x7D00  }
0x13: {  	s9 =	sshrl.u32 s9, $0x3;
	[sflag:s4] =	ssyncset.done $0x0  }
0x14: {  	s9 =	sadd.s32 s11, s9;
	[sflag:s4] =	ssyncadd.s32 $0xFFFF8300  }
0x15: {  	[tilespmem:s3], [sflag:$0x2] =	stream.linear.gather [hbm4b:s9+s3], $0x3E8, $0x38;
	[tilespmem:$0x80E8] =	vst v63  }
0x16: {  	_ =	swait.ge [sflag:s4], $0x3E8  }
0x17: {  	[sflag:s4] =	ssyncset.done $0x0  }
0x18: {  	s10 =	smul.u32 $0x17700, s10;
	[sflag:s4] =	ssyncadd.s32 $0xFFFFFC18  }
0x19: {  	[tilespmem:s6], [sflag:$0x1] =	stream.indirect.gather [hbm4b:s2+s6], $0x20, s3, s6, $0xb8;
	[tilespmem:$0x80E8] =	vst v63  }
0x1a: {  	s10 =	sshrl.u32 s10, $0x3;
	_ =	swait.ge [sflag:s7], $0x7D00  }
0x1b: {  	s30 =	sadd.s32 s15, s10;
	[sflag:s7] =	ssyncset.done $0x0  }
0x1c: {  	s10 =	sadd.s32 $0xFA0, s30;
	[sflag:s7] =	ssyncadd.s32 $0xFFFF8300  }
0x1d: {  	[hbm4b:s10+s3] =	stream.linear.scatter [tilespmem:s6], [sflag:$0x2], $0x7D00, $0x38;
	[tilespmem:$0x80E8] =	vst v63  }
0x1e: {  	_ =	swait.ge [sflag:s4], $0x7D00  }
0x1f: {  	[sflag:s4] =	ssyncset.done $0x0  }
0x20: {  	s12 =	ssub.s32 $0x2, s12;
	s11 =	sadd.s32 $0x4F1A, s13;
	[sflag:s4] =	ssyncadd.s32 $0xFFFF8300  }
0x21: {  	[tilespmem:s3], [sflag:$0x2] =	stream.linear.gather [hbm4b:s11+s3], $0x3E8, $0x38;
	[tilespmem:$0x80E8] =	vst v63  }
0x22: {  	s31 =	sshrl.u32 s12, $0x1;
	_ =	swait.ge [sflag:s4], $0x3E8  }
0x23: {  	s13 =	ssub.s32 s12, s31;
	[sflag:s4] =	ssyncset.done $0x0  }
0x24: {  	s13 =	smax.u32 s13, $0x1;
	[sflag:s4] =	ssyncadd.s32 $0xFFFFFC18  }
0x25: {  	[tilespmem:s6], [sflag:$0x1] =	stream.indirect.gather [hbm4b:s2+s6], $0x20, s3, s6, $0xb8;
	[tilespmem:$0x80E8] =	vst v63  }
0x26: {  	p0 =	sne.s32 s13, $0x1;
	_ =	swait.ge [sflag:s7], $0x7D00  }
.Ltmp0:
0x27: {  	[sflag:s7] =	ssyncset.done $0x0;
	(pc) =	sbr.rel @!p0 .LBB2_2-.Ltmp0, $4  }
0x28: {  	s12 =	sadd.s32 $0x1F40, s30;
	[sflag:s7] =	ssyncadd.s32 $0xFFFF8300  }
0x29: {  	[hbm4b:s12+s3] =	stream.linear.scatter [tilespmem:s6], [sflag:$0x2], $0x7D00, $0x38;
	[tilespmem:$0x80E8] =	vst v63  }
0x2a: {  	_ =	swait.ge [sflag:s4], $0x7D00  }
0x2b: {  	s13 =	sadd.s32 $0xFFFFFFFF, s13;
	[sflag:s4] =	ssyncset.done $0x0  }
.LBB2_1:
0x2c: {  	p0 =	sne.s32 s13, $0x1;
	s13 =	sadd.s32 $0xFFFFFFFF, s13;
	[sflag:s4] =	ssyncadd.s32 $0xFFFF8300  }
0x2d: {  	[tilespmem:s3], [sflag:$0x2] =	stream.linear.gather [hbm4b:s5+s3], $0x3E8, $0x38;
	[tilespmem:$0x80E8] =	vst v63  }
0x2e: {  	_ =	swait.ge [sflag:s4], $0x3E8  }
0x2f: {  	[sflag:s4] =	ssyncset.done $0x0  }
0x30: {  	[sflag:s4] =	ssyncadd.s32 $0xFFFFFC18  }
0x31: {  	[tilespmem:s6], [sflag:$0x1] =	stream.indirect.gather [hbm4b:s2+s6], $0x20, s3, s6, $0xb8;
	[tilespmem:$0x80E8] =	vst v63  }
0x32: {  	_ =	swait.ge [sflag:s7], $0x7D00  }
0x33: {  	[sflag:s7] =	ssyncset.done $0x0  }
0x34: {  	[sflag:s7] =	ssyncadd.s32 $0xFFFF8300  }
0x35: {  	[hbm4b:s8+s3] =	stream.linear.scatter [tilespmem:s6], [sflag:$0x2], $0x7D00, $0x38;
	[tilespmem:$0x80E8] =	vst v63  }
0x36: {  	_ =	swait.ge [sflag:s4], $0x7D00  }
0x37: {  	[sflag:s4] =	ssyncset.done $0x0  }
0x38: {  	[sflag:s4] =	ssyncadd.s32 $0xFFFF8300  }
0x39: {  	[tilespmem:s3], [sflag:$0x2] =	stream.linear.gather [hbm4b:s9+s3], $0x3E8, $0x38;
	[tilespmem:$0x80E8] =	vst v63  }
0x3a: {  	_ =	swait.ge [sflag:s4], $0x3E8  }
0x3b: {  	[sflag:s4] =	ssyncset.done $0x0  }
0x3c: {  	[sflag:s4] =	ssyncadd.s32 $0xFFFFFC18  }
0x3d: {  	[tilespmem:s6], [sflag:$0x1] =	stream.indirect.gather [hbm4b:s2+s6], $0x20, s3, s6, $0xb8;
	[tilespmem:$0x80E8] =	vst v63  }
0x3e: {  	_ =	swait.ge [sflag:s7], $0x7D00  }
0x3f: {  	[sflag:s7] =	ssyncset.done $0x0  }
0x40: {  	[sflag:s7] =	ssyncadd.s32 $0xFFFF8300  }
0x41: {  	[hbm4b:s10+s3] =	stream.linear.scatter [tilespmem:s6], [sflag:$0x2], $0x7D00, $0x38;
	[tilespmem:$0x80E8] =	vst v63  }
0x42: {  	_ =	swait.ge [sflag:s4], $0x7D00  }
0x43: {  	[sflag:s4] =	ssyncset.done $0x0  }
0x44: {  	[sflag:s4] =	ssyncadd.s32 $0xFFFF8300  }
0x45: {  	[tilespmem:s3], [sflag:$0x2] =	stream.linear.gather [hbm4b:s11+s3], $0x3E8, $0x38;
	[tilespmem:$0x80E8] =	vst v63  }
0x46: {  	_ =	swait.ge [sflag:s4], $0x3E8  }
0x47: {  	[sflag:s4] =	ssyncset.done $0x0  }
0x48: {  	[sflag:s4] =	ssyncadd.s32 $0xFFFFFC18  }
0x49: {  	[tilespmem:s6], [sflag:$0x1] =	stream.indirect.gather [hbm4b:s2+s6], $0x20, s3, s6, $0xb8;
	[tilespmem:$0x80E8] =	vst v63  }
0x4a: {  	_ =	swait.ge [sflag:s7], $0x7D00  }
.Ltmp1:
0x4b: {  	[sflag:s7] =	ssyncset.done $0x0;
	(pc) =	sbr.rel @p0 .LBB2_1-.Ltmp1, $4  }
0x4c: {  	[sflag:s7] =	ssyncadd.s32 $0xFFFF8300  }
0x4d: {  	[hbm4b:s12+s3] =	stream.linear.scatter [tilespmem:s6], [sflag:$0x2], $0x7D00, $0x38;
	[tilespmem:$0x80E8] =	vst v63  }
0x4e: {  	_ =	swait.ge [sflag:s4], $0x7D00  }
0x4f: {  	[sflag:s4] =	ssyncset.done $0x0  }
.LBB2_2:
0x50: {  	[sflag:s4] =	ssyncadd.s32 $0xFFFF8300  }
0x51: {  	_ =	sfence.sel $0x180000  }
0x52: {  	[bflag:$0x0] =	sbarrier.arrive $0xFFFF  }
0x53: {  	p0 =	sne.s32 s0, $0x0;
	_ =	strace $0x90000047  }
0x54: {  	s0 =	sadd.s32 @!p0 $0x100000, s1;
	[bflag:$0x2] =	sbarrier.arrive $0xFFFF  }
0x55: {  	[sflag:s0] =	ssyncadd.tile.s32 @!p0 $0x1;
	_ =	shalt  }
.Lfunc_end2:
_tile_overlayer_lowered:
.L_overlay_start_2:
0x56: {  	(tag) =	ssettag $0x2  }
0x57: {  	s0 =	rddreg [dreg:$0x0];
	s2 =	stileid.u32  }
0x58: {  	s1 =	rddreg [dreg:$0x1];
	p0 =	sne.s32 s2, $0x0  }
0x59: {  	s3 =	rddreg [dreg:$0x2];
	[bflag:$0x3] =	sbarrier.arrive $0xFFFF;
	s2 =	simm.s32 @!p0 $0x1C02  }
0x5a: {  	[timem:s3], [sflag:s2] =	dma.local @!p0 [hbm:s0], s1  }
0x5b: {  	s0 =	simm.s32 @!p0 $0x2  }
0x5c: {  	_ =	swait.ge @!p0 [sflag:s0], s1  }
0x5d: {  	s1 =	ssub.s32 @!p0 $0x0, s1;
	[sflag:s0] =	ssyncset.done @!p0 $0x0  }
0x5e: {  	[sflag:s0] =	ssyncadd.s32 @!p0 s1  }
0x5f: {  	[bflag:$0x3] =	sbarrier.arrive $0xFFFF  }
0x60: {  	_ =	shalt  }

</sc_bundles>
